<compile_context>
chip_gen: v7x
topology: tpu7x:2x2x1
jax: 0.10.2.dev20260603
libtpu: 0.0.44.dev20260713+nightly
codegen_flags: <defaults>
</compile_context>

<pallas_src>
import jax
import jax.numpy as jnp
from jax import lax
from jax.experimental import pallas as pl
from jax.experimental.pallas import tpu as pltpu
from jax.experimental.pallas import tpu_sc as plsc

B = 16384
V = 1000000
EMB_D = 32
YEAR_DIM = 8
OUT_D = 64

S = 253952
GBLK = 4096
NG = S // GBLK
TAIL_START = 3 * S
TAIL_W = V - TAIL_START

NC, NS = 2, 16
NW = NC * NS
B_PER_W = B // NW
CH = 128
NCHUNK = B_PER_W // CH



def _repack_body(sel_ref, m0, m1, m2, mt, p0, p1, p2, pt, wm, wp):
    def w(blocks):
        acc = None
        for c, x in enumerate(blocks):
            e = sel_ref[c]
            t = lax.dot_general(x[...], e,
                                dimension_numbers=(((0,), (0,)), ((), ())),
                                preferred_element_type=jnp.float32)
            acc = t if acc is None else acc + t
        return acc

    wm[...] = w([m0, m1, m2, mt])
    wp[...] = w([p0, p1, p2, pt])


def _tc_repack(embT_m, embT_p):
    def specs():
        for c in range(4):
            yield pl.BlockSpec((EMB_D, GBLK),
                               lambda i, c=c: (0, jnp.minimum(c * NG + i,
                                                              V // GBLK)))

    sel = jnp.zeros((4, EMB_D, 128), jnp.float32)
    for c in range(4):
        sel = sel.at[c, :, c * EMB_D:(c + 1) * EMB_D].set(
            jnp.eye(EMB_D, dtype=jnp.float32))
    return pl.pallas_call(
        _repack_body,
        grid=(NG,),
        in_specs=[pl.BlockSpec((4, EMB_D, 128), lambda i: (0, 0, 0)),
                  *specs(), *specs()],
        out_specs=[pl.BlockSpec((GBLK, 128), lambda i: (i, 0))] * 2,
        out_shape=[jax.ShapeDtypeStruct((S, 128), jnp.float32)] * 2,
    )(sel, embT_m, embT_m, embT_m, embT_m, embT_p, embT_p, embT_p, embT_p)



def _gather_body(wide_m, wide_p, gm_hbm, gp_hbm, mW_out, pW_out,
                 idxv, rows, sem):
    wid = lax.axis_index("s") * NC + lax.axis_index("c")
    base = pl.multiple_of(wid * B_PER_W, B_PER_W)

    def one_table(wide, g_hbm, out):
        for j in range(NCHUNK):
            pltpu.sync_copy(g_hbm.at[pl.ds(base + j * CH, CH)], idxv.at[j])
        for j in range(NCHUNK):
            pltpu.async_copy(wide.at[idxv.at[j]],
                             rows.at[pl.ds(j * CH, CH)], sem)
        for j in range(NCHUNK):
            pltpu.make_async_copy(wide.at[pl.ds(0, CH)],
                                  rows.at[pl.ds(j * CH, CH)], sem).wait()
        pltpu.sync_copy(rows, out.at[pl.ds(base, B_PER_W)])

    one_table(wide_m, gm_hbm, mW_out)
    one_table(wide_p, gp_hbm, pW_out)


def _sc_gather(wide_m, wide_p, gm, gp):
    kfn = pl.kernel(
        _gather_body,
        out_type=[jax.ShapeDtypeStruct((B, 128), jnp.float32),
                  jax.ShapeDtypeStruct((B, 128), jnp.float32)],
        mesh=plsc.VectorSubcoreMesh(core_axis_name="c", subcore_axis_name="s"),
        scratch_types=[
            pltpu.VMEM((NCHUNK, CH), jnp.int32),
            pltpu.VMEM((B_PER_W, 128), jnp.float32),
            pltpu.SemaphoreType.DMA,
        ],
        compiler_params=pltpu.CompilerParams(use_tc_tiling_on_sc=True),
    )
    return kfn(wide_m, wide_p, gm, gp)



BLK = 2048


def _tc_body(year_ref, mW_ref, pW_ref, cm_ref, cp_ref, W1_ref, b1_ref,
             W2_ref, b2_ref, Wpy_ref, Wpm_ref, Wpp_ref, bp_ref, out_ref):
    def select(wide, c_col):
        acc = jnp.where(c_col == 0, wide[:, 0:EMB_D], 0.0)
        for c in range(1, 4):
            acc += jnp.where(c_col == c,
                             wide[:, c * EMB_D:(c + 1) * EMB_D], 0.0)
        return acc

    m = select(mW_ref[...], cm_ref[...])
    p = select(pW_ref[...], cp_ref[...])
    y = jnp.maximum(year_ref[...] * W1_ref[...] + b1_ref[...], 0.0)
    y = jnp.maximum(
        jnp.dot(y, W2_ref[...], preferred_element_type=jnp.float32) + b2_ref[...],
        0.0)
    acc = jnp.dot(y, Wpy_ref[...], preferred_element_type=jnp.float32)
    acc += jnp.dot(m, Wpm_ref[...], preferred_element_type=jnp.float32)
    acc += jnp.dot(p, Wpp_ref[...], preferred_element_type=jnp.float32)
    out_ref[...] = jnp.maximum(acc + bp_ref[...], 0.0)


def _tc_dense(year, mW, pW, cm, cp, W1, b1, W2, b2, Wp, bp):
    Wpy = Wp[0:YEAR_DIM]
    Wpm = Wp[YEAR_DIM:YEAR_DIM + EMB_D]
    Wpp = Wp[YEAR_DIM + EMB_D:YEAR_DIM + 2 * EMB_D]
    rep = lambda shape: pl.BlockSpec(shape, lambda i: (0, 0))
    return pl.pallas_call(
        _tc_body,
        grid=(B // BLK,),
        in_specs=[
            pl.BlockSpec((BLK, 1), lambda i: (i, 0)),
            pl.BlockSpec((BLK, 128), lambda i: (i, 0)),
            pl.BlockSpec((BLK, 128), lambda i: (i, 0)),
            pl.BlockSpec((BLK, 1), lambda i: (i, 0)),
            pl.BlockSpec((BLK, 1), lambda i: (i, 0)),
            rep((1, YEAR_DIM)),
            rep((1, YEAR_DIM)),
            rep((YEAR_DIM, YEAR_DIM)),
            rep((1, YEAR_DIM)),
            rep((YEAR_DIM, OUT_D)),
            rep((EMB_D, OUT_D)),
            rep((EMB_D, OUT_D)),
            rep((1, OUT_D)),
        ],
        out_specs=pl.BlockSpec((BLK, OUT_D), lambda i: (i, 0)),
        out_shape=jax.ShapeDtypeStruct((B, OUT_D), jnp.float32),
    )(year, mW, pW, cm, cp, W1, b1.reshape(1, YEAR_DIM), W2,
      b2.reshape(1, YEAR_DIM), Wpy, Wpm, Wpp, bp.reshape(1, OUT_D))



def kernel(year, manu, part, emb_manu, emb_part, W1, b1, W2, b2, Wp, bp):
    manu = manu.astype(jnp.int32)
    part = part.astype(jnp.int32)
    wide_m, wide_p = _tc_repack(emb_manu.T, emb_part.T)
    gm = manu % S
    gp = part % S
    mW, pW = _sc_gather(wide_m, wide_p, gm, gp)
    cm = (manu // S).reshape(B, 1)
    cp = (part // S).reshape(B, 1)
    return _tc_dense(year, mW, pW, cm, cp, W1, b1, W2, b2, Wp, bp)

# --- scband reference (transcript-rebuilt; emitter-appended) ---
"""Pipeline reference for scband-item-content-tower-44573170597991 (READ-ONLY COPY).

The authoritative reference and input builder live on the scoring server;
editing this copy changes nothing except your own understanding.
"""

import jax, jax.numpy as jnp
import numpy as np

B = 16384
N_MANU = 1000000
N_PART = 1000000
MANU_DIM = 32
PART_DIM = 32
YEAR_DIM = 8
CONTENT_DIM = 64


def setup_inputs(seed: int = 0) -> dict:
    key = jax.random.key(seed)
    ks = jax.random.split(key, 12)
    year = jax.random.uniform(ks[0], (B, 1), dtype=jnp.float32)
    manu = jax.random.randint(ks[1], (B,), 0, N_MANU, dtype=jnp.int64 if jax.config.jax_enable_x64 else jnp.int32)
    part = jax.random.randint(ks[2], (B,), 0, N_PART, dtype=jnp.int64 if jax.config.jax_enable_x64 else jnp.int32)
    emb_manu = jax.random.normal(ks[3], (N_MANU, MANU_DIM), dtype=jnp.float32) * 0.02
    emb_part = jax.random.normal(ks[4], (N_PART, PART_DIM), dtype=jnp.float32) * 0.02
    # year_mlp: Linear(1, year_dim) -> ReLU -> Linear(year_dim, year_dim) -> ReLU
    W1 = jax.random.normal(ks[5], (1, YEAR_DIM), dtype=jnp.float32) * (1.0 / np.sqrt(1))
    b1 = jnp.zeros((YEAR_DIM,), dtype=jnp.float32)
    W2 = jax.random.normal(ks[6], (YEAR_DIM, YEAR_DIM), dtype=jnp.float32) * (1.0 / np.sqrt(YEAR_DIM))
    b2 = jnp.zeros((YEAR_DIM,), dtype=jnp.float32)
    # proj: Linear(year_dim + manu_dim + part_dim, content_dim) -> ReLU
    in_dim = YEAR_DIM + MANU_DIM + PART_DIM
    Wp = jax.random.normal(ks[7], (in_dim, CONTENT_DIM), dtype=jnp.float32) * (1.0 / np.sqrt(in_dim))
    bp = jnp.zeros((CONTENT_DIM,), dtype=jnp.float32)
    return {"year": year, "manu": manu, "part": part, "emb_manu": emb_manu, "emb_part": emb_part, "W1": W1, "b1": b1, "W2": W2, "b2": b2, "Wp": Wp, "bp": bp}


def reference(year, manu, part, emb_manu, emb_part, W1, b1, W2, b2, Wp, bp):
    y = jax.nn.relu(year @ W1 + b1)
    y = jax.nn.relu(y @ W2 + b2)
    m = jnp.take(emb_manu, manu, axis=0)
    p = jnp.take(emb_part, part, axis=0)
    x = jnp.concatenate([y, m, p], axis=-1)
    out = jax.nn.relu(x @ Wp + bp)
    return out

if __name__ == "__main__":
    import jax
    _d = setup_inputs()
    print(jax.jit(kernel)(*tuple(_d.values())))

</pallas_src>

<mosaic_0001>
#map = affine_map<(d0, d1) -> (0, 0)>
#map1 = affine_map<(d0, d1) -> (0)>
module attributes {stable_mosaic.version = 14 : i64} {
  func.func @_gather_body(%arg0: i32, %arg1: i32, %arg2: memref<253952x128xf32, #tpu.memory_space<hbm>>, %arg3: memref<253952x128xf32, #tpu.memory_space<hbm>>, %arg4: memref<16384xi32, #tpu.memory_space<hbm>>, %arg5: memref<16384xi32, #tpu.memory_space<hbm>>, %arg6: memref<16384x128xf32, #tpu.memory_space<hbm>>, %arg7: memref<16384x128xf32, #tpu.memory_space<hbm>>, %arg8: memref<4x128xi32, #tpu.memory_space<vmem>>, %arg9: memref<512x128xf32, #tpu.memory_space<vmem>>, %arg10: memref<!tpu.dma_semaphore, #tpu.memory_space<semaphore_mem>>) attributes {dimension_semantics = [#tpu.dimension_semantics<core_parallel>, #tpu.dimension_semantics<subcore_parallel>], iteration_bounds = array<i64: 2, 16>, scalar_prefetch = 0 : i64, scratch_operands = 3 : i64, tpu.core_type = #tpu.core_type<sc_vector_subcore>, window_params = [{transform_indices = #map}, {transform_indices = #map}, {transform_indices = #map1}, {transform_indices = #map1}, {transform_indices = #map}, {transform_indices = #map}]} {
    %mul3A = arith.constant 2 : i32
    %mul3A_0 = arith.muli %arg1, %mul3A : i32
    %add3A = arith.addi %mul3A_0, %arg0 : i32
    %mul3A_1 = arith.constant 512 : i32
    %mul3A_2 = arith.muli %add3A, %mul3A_1 : i32
    %multiple_of3A = tpu.assume_multiple %mul3A_2, 512 : i32
    %add3A_3 = arith.constant 0 : i32
    %add3A_4 = arith.addi %multiple_of3A, %add3A_3 : i32
    %run_scoped3A = arith.constant 0 : i32
    "tpu.region"() ({
      %run_scoped3A_200 = tpu.sem_alloc : memref<!tpu.dma_semaphore, #tpu.memory_space<semaphore_mem>>
      %dma_start3A_201 = arith.constant 0 : i32
      %dma_start3A_202 = tpu.memref_slice %arg8[%run_scoped3A, %dma_start3A_201] : memref<4x128xi32, #tpu.memory_space<vmem>> -> memref<1x128xi32, #tpu.memory_space<vmem>>
      %dma_start3A_203 = tpu.memref_squeeze %dma_start3A_202 : memref<1x128xi32, #tpu.memory_space<vmem>> -> memref<128xi32, #tpu.memory_space<vmem>>
      %dma_start3A_204 = tpu.memref_slice %arg4[%add3A_4] : memref<16384xi32, #tpu.memory_space<hbm>> -> memref<128xi32, #tpu.memory_space<hbm>>
      %dma_start3A_205 = arith.constant 0 : i32
      %dma_start3A_206 = tpu.memref_slice %arg8[%run_scoped3A, %dma_start3A_205] : memref<4x128xi32, #tpu.memory_space<vmem>> -> memref<1x128xi32, #tpu.memory_space<vmem>>
      %dma_start3A_207 = tpu.memref_squeeze %dma_start3A_206 : memref<1x128xi32, #tpu.memory_space<vmem>> -> memref<128xi32, #tpu.memory_space<vmem>>
      %dma_start3A_208 = tpu.memref_slice %arg4[%add3A_4] : memref<16384xi32, #tpu.memory_space<hbm>> -> memref<128xi32, #tpu.memory_space<hbm>>
      tpu.enqueue_dma source(%dma_start3A_208 : memref<128xi32, #tpu.memory_space<hbm>>) target(%dma_start3A_207 : memref<128xi32, #tpu.memory_space<vmem>>) target_semaphore(%run_scoped3A_200 : memref<!tpu.dma_semaphore, #tpu.memory_space<semaphore_mem>>)
      %dma_wait3A_209 = arith.constant 0 : i32
      %dma_wait3A_210 = tpu.memref_slice %arg8[%run_scoped3A, %dma_wait3A_209] : memref<4x128xi32, #tpu.memory_space<vmem>> -> memref<1x128xi32, #tpu.memory_space<vmem>>
      %dma_wait3A_211 = tpu.memref_squeeze %dma_wait3A_210 : memref<1x128xi32, #tpu.memory_space<vmem>> -> memref<128xi32, #tpu.memory_space<vmem>>
      %dma_wait3A_212 = tpu.memref_slice %arg4[%add3A_4] : memref<16384xi32, #tpu.memory_space<hbm>> -> memref<128xi32, #tpu.memory_space<hbm>>
      %dma_wait3A_213 = arith.constant 0 : i32
      %dma_wait3A_214 = tpu.memref_slice %arg8[%run_scoped3A, %dma_wait3A_213] : memref<4x128xi32, #tpu.memory_space<vmem>> -> memref<1x128xi32, #tpu.memory_space<vmem>>
      %dma_wait3A_215 = tpu.memref_squeeze %dma_wait3A_214 : memref<1x128xi32, #tpu.memory_space<vmem>> -> memref<128xi32, #tpu.memory_space<vmem>>
      %dma_wait3A_216 = tpu.memref_slice %arg4[%add3A_4] : memref<16384xi32, #tpu.memory_space<hbm>> -> memref<128xi32, #tpu.memory_space<hbm>>
      tpu.wait_dma2 semaphore(%run_scoped3A_200 : memref<!tpu.dma_semaphore, #tpu.memory_space<semaphore_mem>>) src(%dma_wait3A_216 : memref<128xi32, #tpu.memory_space<hbm>>) dst(%dma_wait3A_215 : memref<128xi32, #tpu.memory_space<vmem>>)
      tpu.yield
    }) : () -> ()
    %add3A_5 = arith.constant 128 : i32
    %add3A_6 = arith.addi %multiple_of3A, %add3A_5 : i32
    %run_scoped3A_7 = arith.constant 1 : i32
    "tpu.region"() ({
      %run_scoped3A_200 = tpu.sem_alloc : memref<!tpu.dma_semaphore, #tpu.memory_space<semaphore_mem>>
      %dma_start3A_201 = arith.constant 0 : i32
      %dma_start3A_202 = tpu.memref_slice %arg8[%run_scoped3A_7, %dma_start3A_201] : memref<4x128xi32, #tpu.memory_space<vmem>> -> memref<1x128xi32, #tpu.memory_space<vmem>>
      %dma_start3A_203 = tpu.memref_squeeze %dma_start3A_202 : memref<1x128xi32, #tpu.memory_space<vmem>> -> memref<128xi32, #tpu.memory_space<vmem>>
      %dma_start3A_204 = tpu.memref_slice %arg4[%add3A_6] : memref<16384xi32, #tpu.memory_space<hbm>> -> memref<128xi32, #tpu.memory_space<hbm>>
      %dma_start3A_205 = arith.constant 0 : i32
      %dma_start3A_206 = tpu.memref_slice %arg8[%run_scoped3A_7, %dma_start3A_205] : memref<4x128xi32, #tpu.memory_space<vmem>> -> memref<1x128xi32, #tpu.memory_space<vmem>>
      %dma_start3A_207 = tpu.memref_squeeze %dma_start3A_206 : memref<1x128xi32, #tpu.memory_space<vmem>> -> memref<128xi32, #tpu.memory_space<vmem>>
      %dma_start3A_208 = tpu.memref_slice %arg4[%add3A_6] : memref<16384xi32, #tpu.memory_space<hbm>> -> memref<128xi32, #tpu.memory_space<hbm>>
      tpu.enqueue_dma source(%dma_start3A_208 : memref<128xi32, #tpu.memory_space<hbm>>) target(%dma_start3A_207 : memref<128xi32, #tpu.memory_space<vmem>>) target_semaphore(%run_scoped3A_200 : memref<!tpu.dma_semaphore, #tpu.memory_space<semaphore_mem>>)
      %dma_wait3A_209 = arith.constant 0 : i32
      %dma_wait3A_210 = tpu.memref_slice %arg8[%run_scoped3A_7, %dma_wait3A_209] : memref<4x128xi32, #tpu.memory_space<vmem>> -> memref<1x128xi32, #tpu.memory_space<vmem>>
      %dma_wait3A_211 = tpu.memref_squeeze %dma_wait3A_210 : memref<1x128xi32, #tpu.memory_space<vmem>> -> memref<128xi32, #tpu.memory_space<vmem>>
      %dma_wait3A_212 = tpu.memref_slice %arg4[%add3A_6] : memref<16384xi32, #tpu.memory_space<hbm>> -> memref<128xi32, #tpu.memory_space<hbm>>
      %dma_wait3A_213 = arith.constant 0 : i32
      %dma_wait3A_214 = tpu.memref_slice %arg8[%run_scoped3A_7, %dma_wait3A_213] : memref<4x128xi32, #tpu.memory_space<vmem>> -> memref<1x128xi32, #tpu.memory_space<vmem>>
      %dma_wait3A_215 = tpu.memref_squeeze %dma_wait3A_214 : memref<1x128xi32, #tpu.memory_space<vmem>> -> memref<128xi32, #tpu.memory_space<vmem>>
      %dma_wait3A_216 = tpu.memref_slice %arg4[%add3A_6] : memref<16384xi32, #tpu.memory_space<hbm>> -> memref<128xi32, #tpu.memory_space<hbm>>
      tpu.wait_dma2 semaphore(%run_scoped3A_200 : memref<!tpu.dma_semaphore, #tpu.memory_space<semaphore_mem>>) src(%dma_wait3A_216 : memref<128xi32, #tpu.memory_space<hbm>>) dst(%dma_wait3A_215 : memref<128xi32, #tpu.memory_space<vmem>>)
      tpu.yield
    }) : () -> ()
    %add3A_8 = arith.constant 256 : i32
    %add3A_9 = arith.addi %multiple_of3A, %add3A_8 : i32
    %run_scoped3A_10 = arith.constant 2 : i32
    "tpu.region"() ({
      %run_scoped3A_200 = tpu.sem_alloc : memref<!tpu.dma_semaphore, #tpu.memory_space<semaphore_mem>>
      %dma_start3A_201 = arith.constant 0 : i32
      %dma_start3A_202 = tpu.memref_slice %arg8[%run_scoped3A_10, %dma_start3A_201] : memref<4x128xi32, #tpu.memory_space<vmem>> -> memref<1x128xi32, #tpu.memory_space<vmem>>
      %dma_start3A_203 = tpu.memref_squeeze %dma_start3A_202 : memref<1x128xi32, #tpu.memory_space<vmem>> -> memref<128xi32, #tpu.memory_space<vmem>>
      %dma_start3A_204 = tpu.memref_slice %arg4[%add3A_9] : memref<16384xi32, #tpu.memory_space<hbm>> -> memref<128xi32, #tpu.memory_space<hbm>>
      %dma_start3A_205 = arith.constant 0 : i32
      %dma_start3A_206 = tpu.memref_slice %arg8[%run_scoped3A_10, %dma_start3A_205] : memref<4x128xi32, #tpu.memory_space<vmem>> -> memref<1x128xi32, #tpu.memory_space<vmem>>
      %dma_start3A_207 = tpu.memref_squeeze %dma_start3A_206 : memref<1x128xi32, #tpu.memory_space<vmem>> -> memref<128xi32, #tpu.memory_space<vmem>>
      %dma_start3A_208 = tpu.memref_slice %arg4[%add3A_9] : memref<16384xi32, #tpu.memory_space<hbm>> -> memref<128xi32, #tpu.memory_space<hbm>>
      tpu.enqueue_dma source(%dma_start3A_208 : memref<128xi32, #tpu.memory_space<hbm>>) target(%dma_start3A_207 : memref<128xi32, #tpu.memory_space<vmem>>) target_semaphore(%run_scoped3A_200 : memref<!tpu.dma_semaphore, #tpu.memory_space<semaphore_mem>>)
      %dma_wait3A_209 = arith.constant 0 : i32
      %dma_wait3A_210 = tpu.memref_slice %arg8[%run_scoped3A_10, %dma_wait3A_209] : memref<4x128xi32, #tpu.memory_space<vmem>> -> memref<1x128xi32, #tpu.memory_space<vmem>>
      %dma_wait3A_211 = tpu.memref_squeeze %dma_wait3A_210 : memref<1x128xi32, #tpu.memory_space<vmem>> -> memref<128xi32, #tpu.memory_space<vmem>>
      %dma_wait3A_212 = tpu.memref_slice %arg4[%add3A_9] : memref<16384xi32, #tpu.memory_space<hbm>> -> memref<128xi32, #tpu.memory_space<hbm>>
      %dma_wait3A_213 = arith.constant 0 : i32
      %dma_wait3A_214 = tpu.memref_slice %arg8[%run_scoped3A_10, %dma_wait3A_213] : memref<4x128xi32, #tpu.memory_space<vmem>> -> memref<1x128xi32, #tpu.memory_space<vmem>>
      %dma_wait3A_215 = tpu.memref_squeeze %dma_wait3A_214 : memref<1x128xi32, #tpu.memory_space<vmem>> -> memref<128xi32, #tpu.memory_space<vmem>>
      %dma_wait3A_216 = tpu.memref_slice %arg4[%add3A_9] : memref<16384xi32, #tpu.memory_space<hbm>> -> memref<128xi32, #tpu.memory_space<hbm>>
      tpu.wait_dma2 semaphore(%run_scoped3A_200 : memref<!tpu.dma_semaphore, #tpu.memory_space<semaphore_mem>>) src(%dma_wait3A_216 : memref<128xi32, #tpu.memory_space<hbm>>) dst(%dma_wait3A_215 : memref<128xi32, #tpu.memory_space<vmem>>)
      tpu.yield
    }) : () -> ()
    %add3A_11 = arith.constant 384 : i32
    %add3A_12 = arith.addi %multiple_of3A, %add3A_11 : i32
    %run_scoped3A_13 = arith.constant 3 : i32
    "tpu.region"() ({
      %run_scoped3A_200 = tpu.sem_alloc : memref<!tpu.dma_semaphore, #tpu.memory_space<semaphore_mem>>
      %dma_start3A_201 = arith.constant 0 : i32
      %dma_start3A_202 = tpu.memref_slice %arg8[%run_scoped3A_13, %dma_start3A_201] : memref<4x128xi32, #tpu.memory_space<vmem>> -> memref<1x128xi32, #tpu.memory_space<vmem>>
      %dma_start3A_203 = tpu.memref_squeeze %dma_start3A_202 : memref<1x128xi32, #tpu.memory_space<vmem>> -> memref<128xi32, #tpu.memory_space<vmem>>
      %dma_start3A_204 = tpu.memref_slice %arg4[%add3A_12] : memref<16384xi32, #tpu.memory_space<hbm>> -> memref<128xi32, #tpu.memory_space<hbm>>
      %dma_start3A_205 = arith.constant 0 : i32
      %dma_start3A_206 = tpu.memref_slice %arg8[%run_scoped3A_13, %dma_start3A_205] : memref<4x128xi32, #tpu.memory_space<vmem>> -> memref<1x128xi32, #tpu.memory_space<vmem>>
      %dma_start3A_207 = tpu.memref_squeeze %dma_start3A_206 : memref<1x128xi32, #tpu.memory_space<vmem>> -> memref<128xi32, #tpu.memory_space<vmem>>
      %dma_start3A_208 = tpu.memref_slice %arg4[%add3A_12] : memref<16384xi32, #tpu.memory_space<hbm>> -> memref<128xi32, #tpu.memory_space<hbm>>
      tpu.enqueue_dma source(%dma_start3A_208 : memref<128xi32, #tpu.memory_space<hbm>>) target(%dma_start3A_207 : memref<128xi32, #tpu.memory_space<vmem>>) target_semaphore(%run_scoped3A_200 : memref<!tpu.dma_semaphore, #tpu.memory_space<semaphore_mem>>)
      %dma_wait3A_209 = arith.constant 0 : i32
      %dma_wait3A_210 = tpu.memref_slice %arg8[%run_scoped3A_13, %dma_wait3A_209] : memref<4x128xi32, #tpu.memory_space<vmem>> -> memref<1x128xi32, #tpu.memory_space<vmem>>
      %dma_wait3A_211 = tpu.memref_squeeze %dma_wait3A_210 : memref<1x128xi32, #tpu.memory_space<vmem>> -> memref<128xi32, #tpu.memory_space<vmem>>
      %dma_wait3A_212 = tpu.memref_slice %arg4[%add3A_12] : memref<16384xi32, #tpu.memory_space<hbm>> -> memref<128xi32, #tpu.memory_space<hbm>>
      %dma_wait3A_213 = arith.constant 0 : i32
      %dma_wait3A_214 = tpu.memref_slice %arg8[%run_scoped3A_13, %dma_wait3A_213] : memref<4x128xi32, #tpu.memory_space<vmem>> -> memref<1x128xi32, #tpu.memory_space<vmem>>
      %dma_wait3A_215 = tpu.memref_squeeze %dma_wait3A_214 : memref<1x128xi32, #tpu.memory_space<vmem>> -> memref<128xi32, #tpu.memory_space<vmem>>
      %dma_wait3A_216 = tpu.memref_slice %arg4[%add3A_12] : memref<16384xi32, #tpu.memory_space<hbm>> -> memref<128xi32, #tpu.memory_space<hbm>>
      tpu.wait_dma2 semaphore(%run_scoped3A_200 : memref<!tpu.dma_semaphore, #tpu.memory_space<semaphore_mem>>) src(%dma_wait3A_216 : memref<128xi32, #tpu.memory_space<hbm>>) dst(%dma_wait3A_215 : memref<128xi32, #tpu.memory_space<vmem>>)
      tpu.yield
    }) : () -> ()
    %dma_start3A = arith.constant 0 : i32
    %dma_start3A_14 = arith.constant 0 : i32
    %dma_start3A_15 = arith.constant 0 : i32
    %dma_start3A_16 = tpu.memref_slice %arg9[%dma_start3A_14, %dma_start3A_15] : memref<512x128xf32, #tpu.memory_space<vmem>> -> memref<128x128xf32, #tpu.memory_space<vmem>>
    %dma_start3A_17 = arith.constant 0 : i32
    %dma_start3A_18 = tpu.memref_slice %arg8[%dma_start3A, %dma_start3A_17] : memref<4x128xi32, #tpu.memory_space<vmem>> -> memref<1x128xi32, #tpu.memory_space<vmem>>
    %dma_start3A_19 = tpu.memref_squeeze %dma_start3A_18 : memref<1x128xi32, #tpu.memory_space<vmem>> -> memref<128xi32, #tpu.memory_space<vmem>>
    %dma_start3A_20 = arith.constant 0 : i32
    %dma_start3A_21 = arith.constant 0 : i32
    %dma_start3A_22 = tpu.memref_slice %arg2[%dma_start3A_20, %dma_start3A_21] : memref<253952x128xf32, #tpu.memory_space<hbm>> -> memref<253952x128xf32, #tpu.memory_space<hbm>>
    tpu.enqueue_indirect_dma source(%dma_start3A_22 : memref<253952x128xf32, #tpu.memory_space<hbm>>) target(%dma_start3A_16 : memref<128x128xf32, #tpu.memory_space<vmem>>) offsets(%dma_start3A_19 : memref<128xi32, #tpu.memory_space<vmem>>) semaphore(%arg10 : memref<!tpu.dma_semaphore, #tpu.memory_space<semaphore_mem>>)
    %dma_start3A_23 = arith.constant 1 : i32
    %dma_start3A_24 = arith.constant 128 : i32
    %dma_start3A_25 = arith.constant 0 : i32
    %dma_start3A_26 = tpu.memref_slice %arg9[%dma_start3A_24, %dma_start3A_25] : memref<512x128xf32, #tpu.memory_space<vmem>> -> memref<128x128xf32, #tpu.memory_space<vmem>>
    %dma_start3A_27 = arith.constant 0 : i32
    %dma_start3A_28 = tpu.memref_slice %arg8[%dma_start3A_23, %dma_start3A_27] : memref<4x128xi32, #tpu.memory_space<vmem>> -> memref<1x128xi32, #tpu.memory_space<vmem>>
    %dma_start3A_29 = tpu.memref_squeeze %dma_start3A_28 : memref<1x128xi32, #tpu.memory_space<vmem>> -> memref<128xi32, #tpu.memory_space<vmem>>
    %dma_start3A_30 = arith.constant 0 : i32
    %dma_start3A_31 = arith.constant 0 : i32
    %dma_start3A_32 = tpu.memref_slice %arg2[%dma_start3A_30, %dma_start3A_31] : memref<253952x128xf32, #tpu.memory_space<hbm>> -> memref<253952x128xf32, #tpu.memory_space<hbm>>
    tpu.enqueue_indirect_dma source(%dma_start3A_32 : memref<253952x128xf32, #tpu.memory_space<hbm>>) target(%dma_start3A_26 : memref<128x128xf32, #tpu.memory_space<vmem>>) offsets(%dma_start3A_29 : memref<128xi32, #tpu.memory_space<vmem>>) semaphore(%arg10 : memref<!tpu.dma_semaphore, #tpu.memory_space<semaphore_mem>>)
    %dma_start3A_33 = arith.constant 2 : i32
    %dma_start3A_34 = arith.constant 256 : i32
    %dma_start3A_35 = arith.constant 0 : i32
    %dma_start3A_36 = tpu.memref_slice %arg9[%dma_start3A_34, %dma_start3A_35] : memref<512x128xf32, #tpu.memory_space<vmem>> -> memref<128x128xf32, #tpu.memory_space<vmem>>
    %dma_start3A_37 = arith.constant 0 : i32
    %dma_start3A_38 = tpu.memref_slice %arg8[%dma_start3A_33, %dma_start3A_37] : memref<4x128xi32, #tpu.memory_space<vmem>> -> memref<1x128xi32, #tpu.memory_space<vmem>>
    %dma_start3A_39 = tpu.memref_squeeze %dma_start3A_38 : memref<1x128xi32, #tpu.memory_space<vmem>> -> memref<128xi32, #tpu.memory_space<vmem>>
    %dma_start3A_40 = arith.constant 0 : i32
    %dma_start3A_41 = arith.constant 0 : i32
    %dma_start3A_42 = tpu.memref_slice %arg2[%dma_start3A_40, %dma_start3A_41] : memref<253952x128xf32, #tpu.memory_space<hbm>> -> memref<253952x128xf32, #tpu.memory_space<hbm>>
    tpu.enqueue_indirect_dma source(%dma_start3A_42 : memref<253952x128xf32, #tpu.memory_space<hbm>>) target(%dma_start3A_36 : memref<128x128xf32, #tpu.memory_space<vmem>>) offsets(%dma_start3A_39 : memref<128xi32, #tpu.memory_space<vmem>>) semaphore(%arg10 : memref<!tpu.dma_semaphore, #tpu.memory_space<semaphore_mem>>)
    %dma_start3A_43 = arith.constant 3 : i32
    %dma_start3A_44 = arith.constant 384 : i32
    %dma_start3A_45 = arith.constant 0 : i32
    %dma_start3A_46 = tpu.memref_slice %arg9[%dma_start3A_44, %dma_start3A_45] : memref<512x128xf32, #tpu.memory_space<vmem>> -> memref<128x128xf32, #tpu.memory_space<vmem>>
    %dma_start3A_47 = arith.constant 0 : i32
    %dma_start3A_48 = tpu.memref_slice %arg8[%dma_start3A_43, %dma_start3A_47] : memref<4x128xi32, #tpu.memory_space<vmem>> -> memref<1x128xi32, #tpu.memory_space<vmem>>
    %dma_start3A_49 = tpu.memref_squeeze %dma_start3A_48 : memref<1x128xi32, #tpu.memory_space<vmem>> -> memref<128xi32, #tpu.memory_space<vmem>>
    %dma_start3A_50 = arith.constant 0 : i32
    %dma_start3A_51 = arith.constant 0 : i32
    %dma_start3A_52 = tpu.memref_slice %arg2[%dma_start3A_50, %dma_start3A_51] : memref<253952x128xf32, #tpu.memory_space<hbm>> -> memref<253952x128xf32, #tpu.memory_space<hbm>>
    tpu.enqueue_indirect_dma source(%dma_start3A_52 : memref<253952x128xf32, #tpu.memory_space<hbm>>) target(%dma_start3A_46 : memref<128x128xf32, #tpu.memory_space<vmem>>) offsets(%dma_start3A_49 : memref<128xi32, #tpu.memory_space<vmem>>) semaphore(%arg10 : memref<!tpu.dma_semaphore, #tpu.memory_space<semaphore_mem>>)
    %dma_wait3A = arith.constant 0 : i32
    %dma_wait3A_53 = arith.constant 0 : i32
    %dma_wait3A_54 = tpu.memref_slice %arg9[%dma_wait3A, %dma_wait3A_53] : memref<512x128xf32, #tpu.memory_space<vmem>> -> memref<128x128xf32, #tpu.memory_space<vmem>>
    %dma_wait3A_55 = arith.constant 0 : i32
    %dma_wait3A_56 = arith.constant 0 : i32
    %dma_wait3A_57 = tpu.memref_slice %arg2[%dma_wait3A_55, %dma_wait3A_56] : memref<253952x128xf32, #tpu.memory_space<hbm>> -> memref<128x128xf32, #tpu.memory_space<hbm>>
    %dma_wait3A_58 = arith.constant 0 : i32
    %dma_wait3A_59 = arith.constant 0 : i32
    %dma_wait3A_60 = tpu.memref_slice %arg9[%dma_wait3A_58, %dma_wait3A_59] : memref<512x128xf32, #tpu.memory_space<vmem>> -> memref<128x128xf32, #tpu.memory_space<vmem>>
    %dma_wait3A_61 = arith.constant 0 : i32
    %dma_wait3A_62 = arith.constant 0 : i32
    %dma_wait3A_63 = tpu.memref_slice %arg2[%dma_wait3A_61, %dma_wait3A_62] : memref<253952x128xf32, #tpu.memory_space<hbm>> -> memref<128x128xf32, #tpu.memory_space<hbm>>
    tpu.wait_dma2 semaphore(%arg10 : memref<!tpu.dma_semaphore, #tpu.memory_space<semaphore_mem>>) src(%dma_wait3A_63 : memref<128x128xf32, #tpu.memory_space<hbm>>) dst(%dma_wait3A_60 : memref<128x128xf32, #tpu.memory_space<vmem>>)
    %dma_wait3A_64 = arith.constant 128 : i32
    %dma_wait3A_65 = arith.constant 0 : i32
    %dma_wait3A_66 = tpu.memref_slice %arg9[%dma_wait3A_64, %dma_wait3A_65] : memref<512x128xf32, #tpu.memory_space<vmem>> -> memref<128x128xf32, #tpu.memory_space<vmem>>
    %dma_wait3A_67 = arith.constant 0 : i32
    %dma_wait3A_68 = arith.constant 0 : i32
    %dma_wait3A_69 = tpu.memref_slice %arg2[%dma_wait3A_67, %dma_wait3A_68] : memref<253952x128xf32, #tpu.memory_space<hbm>> -> memref<128x128xf32, #tpu.memory_space<hbm>>
    %dma_wait3A_70 = arith.constant 128 : i32
    %dma_wait3A_71 = arith.constant 0 : i32
    %dma_wait3A_72 = tpu.memref_slice %arg9[%dma_wait3A_70, %dma_wait3A_71] : memref<512x128xf32, #tpu.memory_space<vmem>> -> memref<128x128xf32, #tpu.memory_space<vmem>>
    %dma_wait3A_73 = arith.constant 0 : i32
    %dma_wait3A_74 = arith.constant 0 : i32
    %dma_wait3A_75 = tpu.memref_slice %arg2[%dma_wait3A_73, %dma_wait3A_74] : memref<253952x128xf32, #tpu.memory_space<hbm>> -> memref<128x128xf32, #tpu.memory_space<hbm>>
    tpu.wait_dma2 semaphore(%arg10 : memref<!tpu.dma_semaphore, #tpu.memory_space<semaphore_mem>>) src(%dma_wait3A_75 : memref<128x128xf32, #tpu.memory_space<hbm>>) dst(%dma_wait3A_72 : memref<128x128xf32, #tpu.memory_space<vmem>>)
    %dma_wait3A_76 = arith.constant 256 : i32
    %dma_wait3A_77 = arith.constant 0 : i32
    %dma_wait3A_78 = tpu.memref_slice %arg9[%dma_wait3A_76, %dma_wait3A_77] : memref<512x128xf32, #tpu.memory_space<vmem>> -> memref<128x128xf32, #tpu.memory_space<vmem>>
    %dma_wait3A_79 = arith.constant 0 : i32
    %dma_wait3A_80 = arith.constant 0 : i32
    %dma_wait3A_81 = tpu.memref_slice %arg2[%dma_wait3A_79, %dma_wait3A_80] : memref<253952x128xf32, #tpu.memory_space<hbm>> -> memref<128x128xf32, #tpu.memory_space<hbm>>
    %dma_wait3A_82 = arith.constant 256 : i32
    %dma_wait3A_83 = arith.constant 0 : i32
    %dma_wait3A_84 = tpu.memref_slice %arg9[%dma_wait3A_82, %dma_wait3A_83] : memref<512x128xf32, #tpu.memory_space<vmem>> -> memref<128x128xf32, #tpu.memory_space<vmem>>
    %dma_wait3A_85 = arith.constant 0 : i32
    %dma_wait3A_86 = arith.constant 0 : i32
    %dma_wait3A_87 = tpu.memref_slice %arg2[%dma_wait3A_85, %dma_wait3A_86] : memref<253952x128xf32, #tpu.memory_space<hbm>> -> memref<128x128xf32, #tpu.memory_space<hbm>>
    tpu.wait_dma2 semaphore(%arg10 : memref<!tpu.dma_semaphore, #tpu.memory_space<semaphore_mem>>) src(%dma_wait3A_87 : memref<128x128xf32, #tpu.memory_space<hbm>>) dst(%dma_wait3A_84 : memref<128x128xf32, #tpu.memory_space<vmem>>)
    %dma_wait3A_88 = arith.constant 384 : i32
    %dma_wait3A_89 = arith.constant 0 : i32
    %dma_wait3A_90 = tpu.memref_slice %arg9[%dma_wait3A_88, %dma_wait3A_89] : memref<512x128xf32, #tpu.memory_space<vmem>> -> memref<128x128xf32, #tpu.memory_space<vmem>>
    %dma_wait3A_91 = arith.constant 0 : i32
    %dma_wait3A_92 = arith.constant 0 : i32
    %dma_wait3A_93 = tpu.memref_slice %arg2[%dma_wait3A_91, %dma_wait3A_92] : memref<253952x128xf32, #tpu.memory_space<hbm>> -> memref<128x128xf32, #tpu.memory_space<hbm>>
    %dma_wait3A_94 = arith.constant 384 : i32
    %dma_wait3A_95 = arith.constant 0 : i32
    %dma_wait3A_96 = tpu.memref_slice %arg9[%dma_wait3A_94, %dma_wait3A_95] : memref<512x128xf32, #tpu.memory_space<vmem>> -> memref<128x128xf32, #tpu.memory_space<vmem>>
    %dma_wait3A_97 = arith.constant 0 : i32
    %dma_wait3A_98 = arith.constant 0 : i32
    %dma_wait3A_99 = tpu.memref_slice %arg2[%dma_wait3A_97, %dma_wait3A_98] : memref<253952x128xf32, #tpu.memory_space<hbm>> -> memref<128x128xf32, #tpu.memory_space<hbm>>
    tpu.wait_dma2 semaphore(%arg10 : memref<!tpu.dma_semaphore, #tpu.memory_space<semaphore_mem>>) src(%dma_wait3A_99 : memref<128x128xf32, #tpu.memory_space<hbm>>) dst(%dma_wait3A_96 : memref<128x128xf32, #tpu.memory_space<vmem>>)
    "tpu.region"() ({
      %run_scoped3A_200 = tpu.sem_alloc : memref<!tpu.dma_semaphore, #tpu.memory_space<semaphore_mem>>
      %dma_start3A_201 = arith.constant 0 : i32
      %dma_start3A_202 = tpu.memref_slice %arg6[%multiple_of3A, %dma_start3A_201] : memref<16384x128xf32, #tpu.memory_space<hbm>> -> memref<512x128xf32, #tpu.memory_space<hbm>>
      %dma_start3A_203 = arith.constant 0 : i32
      %dma_start3A_204 = tpu.memref_slice %arg6[%multiple_of3A, %dma_start3A_203] : memref<16384x128xf32, #tpu.memory_space<hbm>> -> memref<512x128xf32, #tpu.memory_space<hbm>>
      tpu.enqueue_dma source(%arg9 : memref<512x128xf32, #tpu.memory_space<vmem>>) target(%dma_start3A_204 : memref<512x128xf32, #tpu.memory_space<hbm>>) target_semaphore(%run_scoped3A_200 : memref<!tpu.dma_semaphore, #tpu.memory_space<semaphore_mem>>)
      %dma_wait3A_205 = arith.constant 0 : i32
      %dma_wait3A_206 = tpu.memref_slice %arg6[%multiple_of3A, %dma_wait3A_205] : memref<16384x128xf32, #tpu.memory_space<hbm>> -> memref<512x128xf32, #tpu.memory_space<hbm>>
      %dma_wait3A_207 = arith.constant 0 : i32
      %dma_wait3A_208 = tpu.memref_slice %arg6[%multiple_of3A, %dma_wait3A_207] : memref<16384x128xf32, #tpu.memory_space<hbm>> -> memref<512x128xf32, #tpu.memory_space<hbm>>
      tpu.wait_dma2 semaphore(%run_scoped3A_200 : memref<!tpu.dma_semaphore, #tpu.memory_space<semaphore_mem>>) src(%arg9 : memref<512x128xf32, #tpu.memory_space<vmem>>) dst(%dma_wait3A_208 : memref<512x128xf32, #tpu.memory_space<hbm>>)
      tpu.yield
    }) : () -> ()
    %add3A_100 = arith.constant 0 : i32
    %add3A_101 = arith.addi %multiple_of3A, %add3A_100 : i32
    %run_scoped3A_102 = arith.constant 0 : i32
    "tpu.region"() ({
      %run_scoped3A_200 = tpu.sem_alloc : memref<!tpu.dma_semaphore, #tpu.memory_space<semaphore_mem>>
      %dma_start3A_201 = arith.constant 0 : i32
      %dma_start3A_202 = tpu.memref_slice %arg8[%run_scoped3A_102, %dma_start3A_201] : memref<4x128xi32, #tpu.memory_space<vmem>> -> memref<1x128xi32, #tpu.memory_space<vmem>>
      %dma_start3A_203 = tpu.memref_squeeze %dma_start3A_202 : memref<1x128xi32, #tpu.memory_space<vmem>> -> memref<128xi32, #tpu.memory_space<vmem>>
      %dma_start3A_204 = tpu.memref_slice %arg5[%add3A_101] : memref<16384xi32, #tpu.memory_space<hbm>> -> memref<128xi32, #tpu.memory_space<hbm>>
      %dma_start3A_205 = arith.constant 0 : i32
      %dma_start3A_206 = tpu.memref_slice %arg8[%run_scoped3A_102, %dma_start3A_205] : memref<4x128xi32, #tpu.memory_space<vmem>> -> memref<1x128xi32, #tpu.memory_space<vmem>>
      %dma_start3A_207 = tpu.memref_squeeze %dma_start3A_206 : memref<1x128xi32, #tpu.memory_space<vmem>> -> memref<128xi32, #tpu.memory_space<vmem>>
      %dma_start3A_208 = tpu.memref_slice %arg5[%add3A_101] : memref<16384xi32, #tpu.memory_space<hbm>> -> memref<128xi32, #tpu.memory_space<hbm>>
      tpu.enqueue_dma source(%dma_start3A_208 : memref<128xi32, #tpu.memory_space<hbm>>) target(%dma_start3A_207 : memref<128xi32, #tpu.memory_space<vmem>>) target_semaphore(%run_scoped3A_200 : memref<!tpu.dma_semaphore, #tpu.memory_space<semaphore_mem>>)
      %dma_wait3A_209 = arith.constant 0 : i32
      %dma_wait3A_210 = tpu.memref_slice %arg8[%run_scoped3A_102, %dma_wait3A_209] : memref<4x128xi32, #tpu.memory_space<vmem>> -> memref<1x128xi32, #tpu.memory_space<vmem>>
      %dma_wait3A_211 = tpu.memref_squeeze %dma_wait3A_210 : memref<1x128xi32, #tpu.memory_space<vmem>> -> memref<128xi32, #tpu.memory_space<vmem>>
      %dma_wait3A_212 = tpu.memref_slice %arg5[%add3A_101] : memref<16384xi32, #tpu.memory_space<hbm>> -> memref<128xi32, #tpu.memory_space<hbm>>
      %dma_wait3A_213 = arith.constant 0 : i32
      %dma_wait3A_214 = tpu.memref_slice %arg8[%run_scoped3A_102, %dma_wait3A_213] : memref<4x128xi32, #tpu.memory_space<vmem>> -> memref<1x128xi32, #tpu.memory_space<vmem>>
      %dma_wait3A_215 = tpu.memref_squeeze %dma_wait3A_214 : memref<1x128xi32, #tpu.memory_space<vmem>> -> memref<128xi32, #tpu.memory_space<vmem>>
      %dma_wait3A_216 = tpu.memref_slice %arg5[%add3A_101] : memref<16384xi32, #tpu.memory_space<hbm>> -> memref<128xi32, #tpu.memory_space<hbm>>
      tpu.wait_dma2 semaphore(%run_scoped3A_200 : memref<!tpu.dma_semaphore, #tpu.memory_space<semaphore_mem>>) src(%dma_wait3A_216 : memref<128xi32, #tpu.memory_space<hbm>>) dst(%dma_wait3A_215 : memref<128xi32, #tpu.memory_space<vmem>>)
      tpu.yield
    }) : () -> ()
    %add3A_103 = arith.constant 128 : i32
    %add3A_104 = arith.addi %multiple_of3A, %add3A_103 : i32
    %run_scoped3A_105 = arith.constant 1 : i32
    "tpu.region"() ({
      %run_scoped3A_200 = tpu.sem_alloc : memref<!tpu.dma_semaphore, #tpu.memory_space<semaphore_mem>>
      %dma_start3A_201 = arith.constant 0 : i32
      %dma_start3A_202 = tpu.memref_slice %arg8[%run_scoped3A_105, %dma_start3A_201] : memref<4x128xi32, #tpu.memory_space<vmem>> -> memref<1x128xi32, #tpu.memory_space<vmem>>
      %dma_start3A_203 = tpu.memref_squeeze %dma_start3A_202 : memref<1x128xi32, #tpu.memory_space<vmem>> -> memref<128xi32, #tpu.memory_space<vmem>>
      %dma_start3A_204 = tpu.memref_slice %arg5[%add3A_104] : memref<16384xi32, #tpu.memory_space<hbm>> -> memref<128xi32, #tpu.memory_space<hbm>>
      %dma_start3A_205 = arith.constant 0 : i32
      %dma_start3A_206 = tpu.memref_slice %arg8[%run_scoped3A_105, %dma_start3A_205] : memref<4x128xi32, #tpu.memory_space<vmem>> -> memref<1x128xi32, #tpu.memory_space<vmem>>
      %dma_start3A_207 = tpu.memref_squeeze %dma_start3A_206 : memref<1x128xi32, #tpu.memory_space<vmem>> -> memref<128xi32, #tpu.memory_space<vmem>>
      %dma_start3A_208 = tpu.memref_slice %arg5[%add3A_104] : memref<16384xi32, #tpu.memory_space<hbm>> -> memref<128xi32, #tpu.memory_space<hbm>>
      tpu.enqueue_dma source(%dma_start3A_208 : memref<128xi32, #tpu.memory_space<hbm>>) target(%dma_start3A_207 : memref<128xi32, #tpu.memory_space<vmem>>) target_semaphore(%run_scoped3A_200 : memref<!tpu.dma_semaphore, #tpu.memory_space<semaphore_mem>>)
      %dma_wait3A_209 = arith.constant 0 : i32
      %dma_wait3A_210 = tpu.memref_slice %arg8[%run_scoped3A_105, %dma_wait3A_209] : memref<4x128xi32, #tpu.memory_space<vmem>> -> memref<1x128xi32, #tpu.memory_space<vmem>>
      %dma_wait3A_211 = tpu.memref_squeeze %dma_wait3A_210 : memref<1x128xi32, #tpu.memory_space<vmem>> -> memref<128xi32, #tpu.memory_space<vmem>>
      %dma_wait3A_212 = tpu.memref_slice %arg5[%add3A_104] : memref<16384xi32, #tpu.memory_space<hbm>> -> memref<128xi32, #tpu.memory_space<hbm>>
      %dma_wait3A_213 = arith.constant 0 : i32
      %dma_wait3A_214 = tpu.memref_slice %arg8[%run_scoped3A_105, %dma_wait3A_213] : memref<4x128xi32, #tpu.memory_space<vmem>> -> memref<1x128xi32, #tpu.memory_space<vmem>>
      %dma_wait3A_215 = tpu.memref_squeeze %dma_wait3A_214 : memref<1x128xi32, #tpu.memory_space<vmem>> -> memref<128xi32, #tpu.memory_space<vmem>>
      %dma_wait3A_216 = tpu.memref_slice %arg5[%add3A_104] : memref<16384xi32, #tpu.memory_space<hbm>> -> memref<128xi32, #tpu.memory_space<hbm>>
      tpu.wait_dma2 semaphore(%run_scoped3A_200 : memref<!tpu.dma_semaphore, #tpu.memory_space<semaphore_mem>>) src(%dma_wait3A_216 : memref<128xi32, #tpu.memory_space<hbm>>) dst(%dma_wait3A_215 : memref<128xi32, #tpu.memory_space<vmem>>)
      tpu.yield
    }) : () -> ()
    %add3A_106 = arith.constant 256 : i32
    %add3A_107 = arith.addi %multiple_of3A, %add3A_106 : i32
    %run_scoped3A_108 = arith.constant 2 : i32
    "tpu.region"() ({
      %run_scoped3A_200 = tpu.sem_alloc : memref<!tpu.dma_semaphore, #tpu.memory_space<semaphore_mem>>
      %dma_start3A_201 = arith.constant 0 : i32
      %dma_start3A_202 = tpu.memref_slice %arg8[%run_scoped3A_108, %dma_start3A_201] : memref<4x128xi32, #tpu.memory_space<vmem>> -> memref<1x128xi32, #tpu.memory_space<vmem>>
      %dma_start3A_203 = tpu.memref_squeeze %dma_start3A_202 : memref<1x128xi32, #tpu.memory_space<vmem>> -> memref<128xi32, #tpu.memory_space<vmem>>
      %dma_start3A_204 = tpu.memref_slice %arg5[%add3A_107] : memref<16384xi32, #tpu.memory_space<hbm>> -> memref<128xi32, #tpu.memory_space<hbm>>
      %dma_start3A_205 = arith.constant 0 : i32
      %dma_start3A_206 = tpu.memref_slice %arg8[%run_scoped3A_108, %dma_start3A_205] : memref<4x128xi32, #tpu.memory_space<vmem>> -> memref<1x128xi32, #tpu.memory_space<vmem>>
      %dma_start3A_207 = tpu.memref_squeeze %dma_start3A_206 : memref<1x128xi32, #tpu.memory_space<vmem>> -> memref<128xi32, #tpu.memory_space<vmem>>
      %dma_start3A_208 = tpu.memref_slice %arg5[%add3A_107] : memref<16384xi32, #tpu.memory_space<hbm>> -> memref<128xi32, #tpu.memory_space<hbm>>
      tpu.enqueue_dma source(%dma_start3A_208 : memref<128xi32, #tpu.memory_space<hbm>>) target(%dma_start3A_207 : memref<128xi32, #tpu.memory_space<vmem>>) target_semaphore(%run_scoped3A_200 : memref<!tpu.dma_semaphore, #tpu.memory_space<semaphore_mem>>)
      %dma_wait3A_209 = arith.constant 0 : i32
      %dma_wait3A_210 = tpu.memref_slice %arg8[%run_scoped3A_108, %dma_wait3A_209] : memref<4x128xi32, #tpu.memory_space<vmem>> -> memref<1x128xi32, #tpu.memory_space<vmem>>
      %dma_wait3A_211 = tpu.memref_squeeze %dma_wait3A_210 : memref<1x128xi32, #tpu.memory_space<vmem>> -> memref<128xi32, #tpu.memory_space<vmem>>
      %dma_wait3A_212 = tpu.memref_slice %arg5[%add3A_107] : memref<16384xi32, #tpu.memory_space<hbm>> -> memref<128xi32, #tpu.memory_space<hbm>>
      %dma_wait3A_213 = arith.constant 0 : i32
      %dma_wait3A_214 = tpu.memref_slice %arg8[%run_scoped3A_108, %dma_wait3A_213] : memref<4x128xi32, #tpu.memory_space<vmem>> -> memref<1x128xi32, #tpu.memory_space<vmem>>
      %dma_wait3A_215 = tpu.memref_squeeze %dma_wait3A_214 : memref<1x128xi32, #tpu.memory_space<vmem>> -> memref<128xi32, #tpu.memory_space<vmem>>
      %dma_wait3A_216 = tpu.memref_slice %arg5[%add3A_107] : memref<16384xi32, #tpu.memory_space<hbm>> -> memref<128xi32, #tpu.memory_space<hbm>>
      tpu.wait_dma2 semaphore(%run_scoped3A_200 : memref<!tpu.dma_semaphore, #tpu.memory_space<semaphore_mem>>) src(%dma_wait3A_216 : memref<128xi32, #tpu.memory_space<hbm>>) dst(%dma_wait3A_215 : memref<128xi32, #tpu.memory_space<vmem>>)
      tpu.yield
    }) : () -> ()
    %add3A_109 = arith.constant 384 : i32
    %add3A_110 = arith.addi %multiple_of3A, %add3A_109 : i32
    %run_scoped3A_111 = arith.constant 3 : i32
    "tpu.region"() ({
      %run_scoped3A_200 = tpu.sem_alloc : memref<!tpu.dma_semaphore, #tpu.memory_space<semaphore_mem>>
      %dma_start3A_201 = arith.constant 0 : i32
      %dma_start3A_202 = tpu.memref_slice %arg8[%run_scoped3A_111, %dma_start3A_201] : memref<4x128xi32, #tpu.memory_space<vmem>> -> memref<1x128xi32, #tpu.memory_space<vmem>>
      %dma_start3A_203 = tpu.memref_squeeze %dma_start3A_202 : memref<1x128xi32, #tpu.memory_space<vmem>> -> memref<128xi32, #tpu.memory_space<vmem>>
      %dma_start3A_204 = tpu.memref_slice %arg5[%add3A_110] : memref<16384xi32, #tpu.memory_space<hbm>> -> memref<128xi32, #tpu.memory_space<hbm>>
      %dma_start3A_205 = arith.constant 0 : i32
      %dma_start3A_206 = tpu.memref_slice %arg8[%run_scoped3A_111, %dma_start3A_205] : memref<4x128xi32, #tpu.memory_space<vmem>> -> memref<1x128xi32, #tpu.memory_space<vmem>>
      %dma_start3A_207 = tpu.memref_squeeze %dma_start3A_206 : memref<1x128xi32, #tpu.memory_space<vmem>> -> memref<128xi32, #tpu.memory_space<vmem>>
      %dma_start3A_208 = tpu.memref_slice %arg5[%add3A_110] : memref<16384xi32, #tpu.memory_space<hbm>> -> memref<128xi32, #tpu.memory_space<hbm>>
      tpu.enqueue_dma source(%dma_start3A_208 : memref<128xi32, #tpu.memory_space<hbm>>) target(%dma_start3A_207 : memref<128xi32, #tpu.memory_space<vmem>>) target_semaphore(%run_scoped3A_200 : memref<!tpu.dma_semaphore, #tpu.memory_space<semaphore_mem>>)
      %dma_wait3A_209 = arith.constant 0 : i32
      %dma_wait3A_210 = tpu.memref_slice %arg8[%run_scoped3A_111, %dma_wait3A_209] : memref<4x128xi32, #tpu.memory_space<vmem>> -> memref<1x128xi32, #tpu.memory_space<vmem>>
      %dma_wait3A_211 = tpu.memref_squeeze %dma_wait3A_210 : memref<1x128xi32, #tpu.memory_space<vmem>> -> memref<128xi32, #tpu.memory_space<vmem>>
      %dma_wait3A_212 = tpu.memref_slice %arg5[%add3A_110] : memref<16384xi32, #tpu.memory_space<hbm>> -> memref<128xi32, #tpu.memory_space<hbm>>
      %dma_wait3A_213 = arith.constant 0 : i32
      %dma_wait3A_214 = tpu.memref_slice %arg8[%run_scoped3A_111, %dma_wait3A_213] : memref<4x128xi32, #tpu.memory_space<vmem>> -> memref<1x128xi32, #tpu.memory_space<vmem>>
      %dma_wait3A_215 = tpu.memref_squeeze %dma_wait3A_214 : memref<1x128xi32, #tpu.memory_space<vmem>> -> memref<128xi32, #tpu.memory_space<vmem>>
      %dma_wait3A_216 = tpu.memref_slice %arg5[%add3A_110] : memref<16384xi32, #tpu.memory_space<hbm>> -> memref<128xi32, #tpu.memory_space<hbm>>
      tpu.wait_dma2 semaphore(%run_scoped3A_200 : memref<!tpu.dma_semaphore, #tpu.memory_space<semaphore_mem>>) src(%dma_wait3A_216 : memref<128xi32, #tpu.memory_space<hbm>>) dst(%dma_wait3A_215 : memref<128xi32, #tpu.memory_space<vmem>>)
      tpu.yield
    }) : () -> ()
    %dma_start3A_112 = arith.constant 0 : i32
    %dma_start3A_113 = arith.constant 0 : i32
    %dma_start3A_114 = arith.constant 0 : i32
    %dma_start3A_115 = tpu.memref_slice %arg9[%dma_start3A_113, %dma_start3A_114] : memref<512x128xf32, #tpu.memory_space<vmem>> -> memref<128x128xf32, #tpu.memory_space<vmem>>
    %dma_start3A_116 = arith.constant 0 : i32
    %dma_start3A_117 = tpu.memref_slice %arg8[%dma_start3A_112, %dma_start3A_116] : memref<4x128xi32, #tpu.memory_space<vmem>> -> memref<1x128xi32, #tpu.memory_space<vmem>>
    %dma_start3A_118 = tpu.memref_squeeze %dma_start3A_117 : memref<1x128xi32, #tpu.memory_space<vmem>> -> memref<128xi32, #tpu.memory_space<vmem>>
    %dma_start3A_119 = arith.constant 0 : i32
    %dma_start3A_120 = arith.constant 0 : i32
    %dma_start3A_121 = tpu.memref_slice %arg3[%dma_start3A_119, %dma_start3A_120] : memref<253952x128xf32, #tpu.memory_space<hbm>> -> memref<253952x128xf32, #tpu.memory_space<hbm>>
    tpu.enqueue_indirect_dma source(%dma_start3A_121 : memref<253952x128xf32, #tpu.memory_space<hbm>>) target(%dma_start3A_115 : memref<128x128xf32, #tpu.memory_space<vmem>>) offsets(%dma_start3A_118 : memref<128xi32, #tpu.memory_space<vmem>>) semaphore(%arg10 : memref<!tpu.dma_semaphore, #tpu.memory_space<semaphore_mem>>)
    %dma_start3A_122 = arith.constant 1 : i32
    %dma_start3A_123 = arith.constant 128 : i32
    %dma_start3A_124 = arith.constant 0 : i32
    %dma_start3A_125 = tpu.memref_slice %arg9[%dma_start3A_123, %dma_start3A_124] : memref<512x128xf32, #tpu.memory_space<vmem>> -> memref<128x128xf32, #tpu.memory_space<vmem>>
    %dma_start3A_126 = arith.constant 0 : i32
    %dma_start3A_127 = tpu.memref_slice %arg8[%dma_start3A_122, %dma_start3A_126] : memref<4x128xi32, #tpu.memory_space<vmem>> -> memref<1x128xi32, #tpu.memory_space<vmem>>
    %dma_start3A_128 = tpu.memref_squeeze %dma_start3A_127 : memref<1x128xi32, #tpu.memory_space<vmem>> -> memref<128xi32, #tpu.memory_space<vmem>>
    %dma_start3A_129 = arith.constant 0 : i32
    %dma_start3A_130 = arith.constant 0 : i32
    %dma_start3A_131 = tpu.memref_slice %arg3[%dma_start3A_129, %dma_start3A_130] : memref<253952x128xf32, #tpu.memory_space<hbm>> -> memref<253952x128xf32, #tpu.memory_space<hbm>>
    tpu.enqueue_indirect_dma source(%dma_start3A_131 : memref<253952x128xf32, #tpu.memory_space<hbm>>) target(%dma_start3A_125 : memref<128x128xf32, #tpu.memory_space<vmem>>) offsets(%dma_start3A_128 : memref<128xi32, #tpu.memory_space<vmem>>) semaphore(%arg10 : memref<!tpu.dma_semaphore, #tpu.memory_space<semaphore_mem>>)
    %dma_start3A_132 = arith.constant 2 : i32
    %dma_start3A_133 = arith.constant 256 : i32
    %dma_start3A_134 = arith.constant 0 : i32
    %dma_start3A_135 = tpu.memref_slice %arg9[%dma_start3A_133, %dma_start3A_134] : memref<512x128xf32, #tpu.memory_space<vmem>> -> memref<128x128xf32, #tpu.memory_space<vmem>>
    %dma_start3A_136 = arith.constant 0 : i32
    %dma_start3A_137 = tpu.memref_slice %arg8[%dma_start3A_132, %dma_start3A_136] : memref<4x128xi32, #tpu.memory_space<vmem>> -> memref<1x128xi32, #tpu.memory_space<vmem>>
    %dma_start3A_138 = tpu.memref_squeeze %dma_start3A_137 : memref<1x128xi32, #tpu.memory_space<vmem>> -> memref<128xi32, #tpu.memory_space<vmem>>
    %dma_start3A_139 = arith.constant 0 : i32
    %dma_start3A_140 = arith.constant 0 : i32
    %dma_start3A_141 = tpu.memref_slice %arg3[%dma_start3A_139, %dma_start3A_140] : memref<253952x128xf32, #tpu.memory_space<hbm>> -> memref<253952x128xf32, #tpu.memory_space<hbm>>
    tpu.enqueue_indirect_dma source(%dma_start3A_141 : memref<253952x128xf32, #tpu.memory_space<hbm>>) target(%dma_start3A_135 : memref<128x128xf32, #tpu.memory_space<vmem>>) offsets(%dma_start3A_138 : memref<128xi32, #tpu.memory_space<vmem>>) semaphore(%arg10 : memref<!tpu.dma_semaphore, #tpu.memory_space<semaphore_mem>>)
    %dma_start3A_142 = arith.constant 3 : i32
    %dma_start3A_143 = arith.constant 384 : i32
    %dma_start3A_144 = arith.constant 0 : i32
    %dma_start3A_145 = tpu.memref_slice %arg9[%dma_start3A_143, %dma_start3A_144] : memref<512x128xf32, #tpu.memory_space<vmem>> -> memref<128x128xf32, #tpu.memory_space<vmem>>
    %dma_start3A_146 = arith.constant 0 : i32
    %dma_start3A_147 = tpu.memref_slice %arg8[%dma_start3A_142, %dma_start3A_146] : memref<4x128xi32, #tpu.memory_space<vmem>> -> memref<1x128xi32, #tpu.memory_space<vmem>>
    %dma_start3A_148 = tpu.memref_squeeze %dma_start3A_147 : memref<1x128xi32, #tpu.memory_space<vmem>> -> memref<128xi32, #tpu.memory_space<vmem>>
    %dma_start3A_149 = arith.constant 0 : i32
    %dma_start3A_150 = arith.constant 0 : i32
    %dma_start3A_151 = tpu.memref_slice %arg3[%dma_start3A_149, %dma_start3A_150] : memref<253952x128xf32, #tpu.memory_space<hbm>> -> memref<253952x128xf32, #tpu.memory_space<hbm>>
    tpu.enqueue_indirect_dma source(%dma_start3A_151 : memref<253952x128xf32, #tpu.memory_space<hbm>>) target(%dma_start3A_145 : memref<128x128xf32, #tpu.memory_space<vmem>>) offsets(%dma_start3A_148 : memref<128xi32, #tpu.memory_space<vmem>>) semaphore(%arg10 : memref<!tpu.dma_semaphore, #tpu.memory_space<semaphore_mem>>)
    %dma_wait3A_152 = arith.constant 0 : i32
    %dma_wait3A_153 = arith.constant 0 : i32
    %dma_wait3A_154 = tpu.memref_slice %arg9[%dma_wait3A_152, %dma_wait3A_153] : memref<512x128xf32, #tpu.memory_space<vmem>> -> memref<128x128xf32, #tpu.memory_space<vmem>>
    %dma_wait3A_155 = arith.constant 0 : i32
    %dma_wait3A_156 = arith.constant 0 : i32
    %dma_wait3A_157 = tpu.memref_slice %arg3[%dma_wait3A_155, %dma_wait3A_156] : memref<253952x128xf32, #tpu.memory_space<hbm>> -> memref<128x128xf32, #tpu.memory_space<hbm>>
    %dma_wait3A_158 = arith.constant 0 : i32
    %dma_wait3A_159 = arith.constant 0 : i32
    %dma_wait3A_160 = tpu.memref_slice %arg9[%dma_wait3A_158, %dma_wait3A_159] : memref<512x128xf32, #tpu.memory_space<vmem>> -> memref<128x128xf32, #tpu.memory_space<vmem>>
    %dma_wait3A_161 = arith.constant 0 : i32
    %dma_wait3A_162 = arith.constant 0 : i32
    %dma_wait3A_163 = tpu.memref_slice %arg3[%dma_wait3A_161, %dma_wait3A_162] : memref<253952x128xf32, #tpu.memory_space<hbm>> -> memref<128x128xf32, #tpu.memory_space<hbm>>
    tpu.wait_dma2 semaphore(%arg10 : memref<!tpu.dma_semaphore, #tpu.memory_space<semaphore_mem>>) src(%dma_wait3A_163 : memref<128x128xf32, #tpu.memory_space<hbm>>) dst(%dma_wait3A_160 : memref<128x128xf32, #tpu.memory_space<vmem>>)
    %dma_wait3A_164 = arith.constant 128 : i32
    %dma_wait3A_165 = arith.constant 0 : i32
    %dma_wait3A_166 = tpu.memref_slice %arg9[%dma_wait3A_164, %dma_wait3A_165] : memref<512x128xf32, #tpu.memory_space<vmem>> -> memref<128x128xf32, #tpu.memory_space<vmem>>
    %dma_wait3A_167 = arith.constant 0 : i32
    %dma_wait3A_168 = arith.constant 0 : i32
    %dma_wait3A_169 = tpu.memref_slice %arg3[%dma_wait3A_167, %dma_wait3A_168] : memref<253952x128xf32, #tpu.memory_space<hbm>> -> memref<128x128xf32, #tpu.memory_space<hbm>>
    %dma_wait3A_170 = arith.constant 128 : i32
    %dma_wait3A_171 = arith.constant 0 : i32
    %dma_wait3A_172 = tpu.memref_slice %arg9[%dma_wait3A_170, %dma_wait3A_171] : memref<512x128xf32, #tpu.memory_space<vmem>> -> memref<128x128xf32, #tpu.memory_space<vmem>>
    %dma_wait3A_173 = arith.constant 0 : i32
    %dma_wait3A_174 = arith.constant 0 : i32
    %dma_wait3A_175 = tpu.memref_slice %arg3[%dma_wait3A_173, %dma_wait3A_174] : memref<253952x128xf32, #tpu.memory_space<hbm>> -> memref<128x128xf32, #tpu.memory_space<hbm>>
    tpu.wait_dma2 semaphore(%arg10 : memref<!tpu.dma_semaphore, #tpu.memory_space<semaphore_mem>>) src(%dma_wait3A_175 : memref<128x128xf32, #tpu.memory_space<hbm>>) dst(%dma_wait3A_172 : memref<128x128xf32, #tpu.memory_space<vmem>>)
    %dma_wait3A_176 = arith.constant 256 : i32
    %dma_wait3A_177 = arith.constant 0 : i32
    %dma_wait3A_178 = tpu.memref_slice %arg9[%dma_wait3A_176, %dma_wait3A_177] : memref<512x128xf32, #tpu.memory_space<vmem>> -> memref<128x128xf32, #tpu.memory_space<vmem>>
    %dma_wait3A_179 = arith.constant 0 : i32
    %dma_wait3A_180 = arith.constant 0 : i32
    %dma_wait3A_181 = tpu.memref_slice %arg3[%dma_wait3A_179, %dma_wait3A_180] : memref<253952x128xf32, #tpu.memory_space<hbm>> -> memref<128x128xf32, #tpu.memory_space<hbm>>
    %dma_wait3A_182 = arith.constant 256 : i32
    %dma_wait3A_183 = arith.constant 0 : i32
    %dma_wait3A_184 = tpu.memref_slice %arg9[%dma_wait3A_182, %dma_wait3A_183] : memref<512x128xf32, #tpu.memory_space<vmem>> -> memref<128x128xf32, #tpu.memory_space<vmem>>
    %dma_wait3A_185 = arith.constant 0 : i32
    %dma_wait3A_186 = arith.constant 0 : i32
    %dma_wait3A_187 = tpu.memref_slice %arg3[%dma_wait3A_185, %dma_wait3A_186] : memref<253952x128xf32, #tpu.memory_space<hbm>> -> memref<128x128xf32, #tpu.memory_space<hbm>>
    tpu.wait_dma2 semaphore(%arg10 : memref<!tpu.dma_semaphore, #tpu.memory_space<semaphore_mem>>) src(%dma_wait3A_187 : memref<128x128xf32, #tpu.memory_space<hbm>>) dst(%dma_wait3A_184 : memref<128x128xf32, #tpu.memory_space<vmem>>)
    %dma_wait3A_188 = arith.constant 384 : i32
    %dma_wait3A_189 = arith.constant 0 : i32
    %dma_wait3A_190 = tpu.memref_slice %arg9[%dma_wait3A_188, %dma_wait3A_189] : memref<512x128xf32, #tpu.memory_space<vmem>> -> memref<128x128xf32, #tpu.memory_space<vmem>>
    %dma_wait3A_191 = arith.constant 0 : i32
    %dma_wait3A_192 = arith.constant 0 : i32
    %dma_wait3A_193 = tpu.memref_slice %arg3[%dma_wait3A_191, %dma_wait3A_192] : memref<253952x128xf32, #tpu.memory_space<hbm>> -> memref<128x128xf32, #tpu.memory_space<hbm>>
    %dma_wait3A_194 = arith.constant 384 : i32
    %dma_wait3A_195 = arith.constant 0 : i32
    %dma_wait3A_196 = tpu.memref_slice %arg9[%dma_wait3A_194, %dma_wait3A_195] : memref<512x128xf32, #tpu.memory_space<vmem>> -> memref<128x128xf32, #tpu.memory_space<vmem>>
    %dma_wait3A_197 = arith.constant 0 : i32
    %dma_wait3A_198 = arith.constant 0 : i32
    %dma_wait3A_199 = tpu.memref_slice %arg3[%dma_wait3A_197, %dma_wait3A_198] : memref<253952x128xf32, #tpu.memory_space<hbm>> -> memref<128x128xf32, #tpu.memory_space<hbm>>
    tpu.wait_dma2 semaphore(%arg10 : memref<!tpu.dma_semaphore, #tpu.memory_space<semaphore_mem>>) src(%dma_wait3A_199 : memref<128x128xf32, #tpu.memory_space<hbm>>) dst(%dma_wait3A_196 : memref<128x128xf32, #tpu.memory_space<vmem>>)
    "tpu.region"() ({
      %run_scoped3A_200 = tpu.sem_alloc : memref<!tpu.dma_semaphore, #tpu.memory_space<semaphore_mem>>
      %dma_start3A_201 = arith.constant 0 : i32
      %dma_start3A_202 = tpu.memref_slice %arg7[%multiple_of3A, %dma_start3A_201] : memref<16384x128xf32, #tpu.memory_space<hbm>> -> memref<512x128xf32, #tpu.memory_space<hbm>>
      %dma_start3A_203 = arith.constant 0 : i32
      %dma_start3A_204 = tpu.memref_slice %arg7[%multiple_of3A, %dma_start3A_203] : memref<16384x128xf32, #tpu.memory_space<hbm>> -> memref<512x128xf32, #tpu.memory_space<hbm>>
      tpu.enqueue_dma source(%arg9 : memref<512x128xf32, #tpu.memory_space<vmem>>) target(%dma_start3A_204 : memref<512x128xf32, #tpu.memory_space<hbm>>) target_semaphore(%run_scoped3A_200 : memref<!tpu.dma_semaphore, #tpu.memory_space<semaphore_mem>>)
      %dma_wait3A_205 = arith.constant 0 : i32
      %dma_wait3A_206 = tpu.memref_slice %arg7[%multiple_of3A, %dma_wait3A_205] : memref<16384x128xf32, #tpu.memory_space<hbm>> -> memref<512x128xf32, #tpu.memory_space<hbm>>
      %dma_wait3A_207 = arith.constant 0 : i32
      %dma_wait3A_208 = tpu.memref_slice %arg7[%multiple_of3A, %dma_wait3A_207] : memref<16384x128xf32, #tpu.memory_space<hbm>> -> memref<512x128xf32, #tpu.memory_space<hbm>>
      tpu.wait_dma2 semaphore(%run_scoped3A_200 : memref<!tpu.dma_semaphore, #tpu.memory_space<semaphore_mem>>) src(%arg9 : memref<512x128xf32, #tpu.memory_space<vmem>>) dst(%dma_wait3A_208 : memref<512x128xf32, #tpu.memory_space<hbm>>)
      tpu.yield
    }) : () -> ()
    return
  }
}

module attributes {stable_mosaic.version = 14 : i64} {
  func.func @_repack_body(%arg0: i32, %arg1: memref<4x32x128xf32, #tpu.memory_space<vmem>>, %arg2: memref<32x4096xf32, #tpu.memory_space<vmem>>, %arg3: memref<32x4096xf32, #tpu.memory_space<vmem>>, %arg4: memref<32x4096xf32, #tpu.memory_space<vmem>>, %arg5: memref<32x4096xf32, #tpu.memory_space<vmem>>, %arg6: memref<32x4096xf32, #tpu.memory_space<vmem>>, %arg7: memref<32x4096xf32, #tpu.memory_space<vmem>>, %arg8: memref<32x4096xf32, #tpu.memory_space<vmem>>, %arg9: memref<32x4096xf32, #tpu.memory_space<vmem>>, %arg10: memref<4096x128xf32, #tpu.memory_space<vmem>>, %arg11: memref<4096x128xf32, #tpu.memory_space<vmem>>) attributes {dimension_semantics = [#tpu.dimension_semantics<arbitrary>], iteration_bounds = array<i64: 62>, scalar_prefetch = 0 : i64, scratch_operands = 0 : i64, tpu.core_type = #tpu.core_type<tc>, window_params = [{pipeline_mode = #tpu.pipeline_mode<synchronous>, transform_indices = @transform_0, window_bounds = array<i64: 4, 32, 128>}, {transform_indices = @transform_1, window_bounds = array<i64: 32, 4096>}, {transform_indices = @transform_2, window_bounds = array<i64: 32, 4096>}, {transform_indices = @transform_3, window_bounds = array<i64: 32, 4096>}, {transform_indices = @transform_4, window_bounds = array<i64: 32, 4096>}, {transform_indices = @transform_5, window_bounds = array<i64: 32, 4096>}, {transform_indices = @transform_6, window_bounds = array<i64: 32, 4096>}, {transform_indices = @transform_7, window_bounds = array<i64: 32, 4096>}, {transform_indices = @transform_8, window_bounds = array<i64: 32, 4096>}, {transform_indices = @transform_9, window_bounds = array<i64: 4096, 128>}, {transform_indices = @transform_10, window_bounds = array<i64: 4096, 128>}]} {
    %get3A = arith.constant 0 : index
    %get3A_0 = arith.constant 0 : index
    %get3A_1 = arith.constant 0 : index
    %get3A_2 = vector.load %arg1[%get3A, %get3A_0, %get3A_1] : memref<4x32x128xf32, #tpu.memory_space<vmem>>, vector<1x32x128xf32>
    %get3A_3 = vector.shape_cast %get3A_2 : vector<1x32x128xf32> to vector<32x128xf32>
    %get3A_4 = arith.constant 0 : index
    %get3A_5 = arith.constant 0 : index
    %get3A_6 = vector.load %arg2[%get3A_4, %get3A_5] : memref<32x4096xf32, #tpu.memory_space<vmem>>, vector<32x4096xf32>
    %dot_general3A = arith.constant dense<0.000000e+00> : vector<4096x128xf32>
    %dot_general3A_7 = tpu.matmul %get3A_6, %get3A_3, %dot_general3A {dimension_numbers = #tpu.dot_dimension_numbers<[0], [0], [1], [1], [0, 1, 1, 1], [], []>, transpose_lhs_hint = false} : vector<32x4096xf32>, vector<32x128xf32>, vector<4096x128xf32> -> vector<4096x128xf32>
    %get3A_8 = arith.constant 1 : index
    %get3A_9 = arith.constant 0 : index
    %get3A_10 = arith.constant 0 : index
    %get3A_11 = vector.load %arg1[%get3A_8, %get3A_9, %get3A_10] : memref<4x32x128xf32, #tpu.memory_space<vmem>>, vector<1x32x128xf32>
    %get3A_12 = vector.shape_cast %get3A_11 : vector<1x32x128xf32> to vector<32x128xf32>
    %get3A_13 = arith.constant 0 : index
    %get3A_14 = arith.constant 0 : index
    %get3A_15 = vector.load %arg3[%get3A_13, %get3A_14] : memref<32x4096xf32, #tpu.memory_space<vmem>>, vector<32x4096xf32>
    %dot_general3A_16 = arith.constant dense<0.000000e+00> : vector<4096x128xf32>
    %dot_general3A_17 = tpu.matmul %get3A_15, %get3A_12, %dot_general3A_16 {dimension_numbers = #tpu.dot_dimension_numbers<[0], [0], [1], [1], [0, 1, 1, 1], [], []>, transpose_lhs_hint = false} : vector<32x4096xf32>, vector<32x128xf32>, vector<4096x128xf32> -> vector<4096x128xf32>
    %add3A = arith.addf %dot_general3A_7, %dot_general3A_17 : vector<4096x128xf32>
    %get3A_18 = arith.constant 2 : index
    %get3A_19 = arith.constant 0 : index
    %get3A_20 = arith.constant 0 : index
    %get3A_21 = vector.load %arg1[%get3A_18, %get3A_19, %get3A_20] : memref<4x32x128xf32, #tpu.memory_space<vmem>>, vector<1x32x128xf32>
    %get3A_22 = vector.shape_cast %get3A_21 : vector<1x32x128xf32> to vector<32x128xf32>
    %get3A_23 = arith.constant 0 : index
    %get3A_24 = arith.constant 0 : index
    %get3A_25 = vector.load %arg4[%get3A_23, %get3A_24] : memref<32x4096xf32, #tpu.memory_space<vmem>>, vector<32x4096xf32>
    %dot_general3A_26 = arith.constant dense<0.000000e+00> : vector<4096x128xf32>
    %dot_general3A_27 = tpu.matmul %get3A_25, %get3A_22, %dot_general3A_26 {dimension_numbers = #tpu.dot_dimension_numbers<[0], [0], [1], [1], [0, 1, 1, 1], [], []>, transpose_lhs_hint = false} : vector<32x4096xf32>, vector<32x128xf32>, vector<4096x128xf32> -> vector<4096x128xf32>
    %add3A_28 = arith.addf %add3A, %dot_general3A_27 : vector<4096x128xf32>
    %get3A_29 = arith.constant 3 : index
    %get3A_30 = arith.constant 0 : index
    %get3A_31 = arith.constant 0 : index
    %get3A_32 = vector.load %arg1[%get3A_29, %get3A_30, %get3A_31] : memref<4x32x128xf32, #tpu.memory_space<vmem>>, vector<1x32x128xf32>
    %get3A_33 = vector.shape_cast %get3A_32 : vector<1x32x128xf32> to vector<32x128xf32>
    %get3A_34 = arith.constant 0 : index
    %get3A_35 = arith.constant 0 : index
    %get3A_36 = vector.load %arg5[%get3A_34, %get3A_35] : memref<32x4096xf32, #tpu.memory_space<vmem>>, vector<32x4096xf32>
    %dot_general3A_37 = arith.constant dense<0.000000e+00> : vector<4096x128xf32>
    %dot_general3A_38 = tpu.matmul %get3A_36, %get3A_33, %dot_general3A_37 {dimension_numbers = #tpu.dot_dimension_numbers<[0], [0], [1], [1], [0, 1, 1, 1], [], []>, transpose_lhs_hint = false} : vector<32x4096xf32>, vector<32x128xf32>, vector<4096x128xf32> -> vector<4096x128xf32>
    %add3A_39 = arith.addf %add3A_28, %dot_general3A_38 : vector<4096x128xf32>
    %swap3A = arith.constant 0 : index
    %swap3A_40 = arith.constant 0 : index
    %swap3A_41 = vector.load %arg10[%swap3A, %swap3A_40] : memref<4096x128xf32, #tpu.memory_space<vmem>>, vector<4096x128xf32>
    tpu.vector_store %arg10[%swap3A, %swap3A_40], %add3A_39 {strides = array<i32>} : memref<4096x128xf32, #tpu.memory_space<vmem>>, vector<4096x128xf32>,
    %get3A_42 = arith.constant 0 : index
    %get3A_43 = arith.constant 0 : index
    %get3A_44 = arith.constant 0 : index
    %get3A_45 = vector.load %arg1[%get3A_42, %get3A_43, %get3A_44] : memref<4x32x128xf32, #tpu.memory_space<vmem>>, vector<1x32x128xf32>
    %get3A_46 = vector.shape_cast %get3A_45 : vector<1x32x128xf32> to vector<32x128xf32>
    %get3A_47 = arith.constant 0 : index
    %get3A_48 = arith.constant 0 : index
    %get3A_49 = vector.load %arg6[%get3A_47, %get3A_48] : memref<32x4096xf32, #tpu.memory_space<vmem>>, vector<32x4096xf32>
    %dot_general3A_50 = arith.constant dense<0.000000e+00> : vector<4096x128xf32>
    %dot_general3A_51 = tpu.matmul %get3A_49, %get3A_46, %dot_general3A_50 {dimension_numbers = #tpu.dot_dimension_numbers<[0], [0], [1], [1], [0, 1, 1, 1], [], []>, transpose_lhs_hint = false} : vector<32x4096xf32>, vector<32x128xf32>, vector<4096x128xf32> -> vector<4096x128xf32>
    %get3A_52 = arith.constant 1 : index
    %get3A_53 = arith.constant 0 : index
    %get3A_54 = arith.constant 0 : index
    %get3A_55 = vector.load %arg1[%get3A_52, %get3A_53, %get3A_54] : memref<4x32x128xf32, #tpu.memory_space<vmem>>, vector<1x32x128xf32>
    %get3A_56 = vector.shape_cast %get3A_55 : vector<1x32x128xf32> to vector<32x128xf32>
    %get3A_57 = arith.constant 0 : index
    %get3A_58 = arith.constant 0 : index
    %get3A_59 = vector.load %arg7[%get3A_57, %get3A_58] : memref<32x4096xf32, #tpu.memory_space<vmem>>, vector<32x4096xf32>
    %dot_general3A_60 = arith.constant dense<0.000000e+00> : vector<4096x128xf32>
    %dot_general3A_61 = tpu.matmul %get3A_59, %get3A_56, %dot_general3A_60 {dimension_numbers = #tpu.dot_dimension_numbers<[0], [0], [1], [1], [0, 1, 1, 1], [], []>, transpose_lhs_hint = false} : vector<32x4096xf32>, vector<32x128xf32>, vector<4096x128xf32> -> vector<4096x128xf32>
    %add3A_62 = arith.addf %dot_general3A_51, %dot_general3A_61 : vector<4096x128xf32>
    %get3A_63 = arith.constant 2 : index
    %get3A_64 = arith.constant 0 : index
    %get3A_65 = arith.constant 0 : index
    %get3A_66 = vector.load %arg1[%get3A_63, %get3A_64, %get3A_65] : memref<4x32x128xf32, #tpu.memory_space<vmem>>, vector<1x32x128xf32>
    %get3A_67 = vector.shape_cast %get3A_66 : vector<1x32x128xf32> to vector<32x128xf32>
    %get3A_68 = arith.constant 0 : index
    %get3A_69 = arith.constant 0 : index
    %get3A_70 = vector.load %arg8[%get3A_68, %get3A_69] : memref<32x4096xf32, #tpu.memory_space<vmem>>, vector<32x4096xf32>
    %dot_general3A_71 = arith.constant dense<0.000000e+00> : vector<4096x128xf32>
    %dot_general3A_72 = tpu.matmul %get3A_70, %get3A_67, %dot_general3A_71 {dimension_numbers = #tpu.dot_dimension_numbers<[0], [0], [1], [1], [0, 1, 1, 1], [], []>, transpose_lhs_hint = false} : vector<32x4096xf32>, vector<32x128xf32>, vector<4096x128xf32> -> vector<4096x128xf32>
    %add3A_73 = arith.addf %add3A_62, %dot_general3A_72 : vector<4096x128xf32>
    %get3A_74 = arith.constant 3 : index
    %get3A_75 = arith.constant 0 : index
    %get3A_76 = arith.constant 0 : index
    %get3A_77 = vector.load %arg1[%get3A_74, %get3A_75, %get3A_76] : memref<4x32x128xf32, #tpu.memory_space<vmem>>, vector<1x32x128xf32>
    %get3A_78 = vector.shape_cast %get3A_77 : vector<1x32x128xf32> to vector<32x128xf32>
    %get3A_79 = arith.constant 0 : index
    %get3A_80 = arith.constant 0 : index
    %get3A_81 = vector.load %arg9[%get3A_79, %get3A_80] : memref<32x4096xf32, #tpu.memory_space<vmem>>, vector<32x4096xf32>
    %dot_general3A_82 = arith.constant dense<0.000000e+00> : vector<4096x128xf32>
    %dot_general3A_83 = tpu.matmul %get3A_81, %get3A_78, %dot_general3A_82 {dimension_numbers = #tpu.dot_dimension_numbers<[0], [0], [1], [1], [0, 1, 1, 1], [], []>, transpose_lhs_hint = false} : vector<32x4096xf32>, vector<32x128xf32>, vector<4096x128xf32> -> vector<4096x128xf32>
    %add3A_84 = arith.addf %add3A_73, %dot_general3A_83 : vector<4096x128xf32>
    %swap3A_85 = arith.constant 0 : index
    %swap3A_86 = arith.constant 0 : index
    %swap3A_87 = vector.load %arg11[%swap3A_85, %swap3A_86] : memref<4096x128xf32, #tpu.memory_space<vmem>>, vector<4096x128xf32>
    tpu.vector_store %arg11[%swap3A_85, %swap3A_86], %add3A_84 {strides = array<i32>} : memref<4096x128xf32, #tpu.memory_space<vmem>>, vector<4096x128xf32>,
    return
  }
  func.func @transform_0(%arg0: i32) -> (i32, i32, i32) {
    %c0_i32 = arith.constant 0 : i32
    %c0_i32_0 = arith.constant 0 : i32
    %c0_i32_1 = arith.constant 0 : i32
    %c0_i32_2 = arith.constant 0 : i32
    return %c0_i32, %c0_i32_0, %c0_i32_1 : i32, i32, i32
  }
  func.func @transform_1(%arg0: i32) -> (i32, i32) {
    %add3A = arith.constant 0 : i32
    %add3A_0 = arith.addi %add3A, %arg0 : i32
    %min3A = arith.constant 244 : i32
    %min3A_1 = arith.minsi %add3A_0, %min3A : i32
    %c0_i32 = arith.constant 0 : i32
    %c0_i32_2 = arith.constant 0 : i32
    return %c0_i32, %min3A_1 : i32, i32
  }
  func.func @transform_2(%arg0: i32) -> (i32, i32) {
    %add3A = arith.constant 62 : i32
    %add3A_0 = arith.addi %add3A, %arg0 : i32
    %min3A = arith.constant 244 : i32
    %min3A_1 = arith.minsi %add3A_0, %min3A : i32
    %c0_i32 = arith.constant 0 : i32
    %c0_i32_2 = arith.constant 0 : i32
    return %c0_i32, %min3A_1 : i32, i32
  }
  func.func @transform_3(%arg0: i32) -> (i32, i32) {
    %add3A = arith.constant 124 : i32
    %add3A_0 = arith.addi %add3A, %arg0 : i32
    %min3A = arith.constant 244 : i32
    %min3A_1 = arith.minsi %add3A_0, %min3A : i32
    %c0_i32 = arith.constant 0 : i32
    %c0_i32_2 = arith.constant 0 : i32
    return %c0_i32, %min3A_1 : i32, i32
  }
  func.func @transform_4(%arg0: i32) -> (i32, i32) {
    %add3A = arith.constant 186 : i32
    %add3A_0 = arith.addi %add3A, %arg0 : i32
    %min3A = arith.constant 244 : i32
    %min3A_1 = arith.minsi %add3A_0, %min3A : i32
    %c0_i32 = arith.constant 0 : i32
    %c0_i32_2 = arith.constant 0 : i32
    return %c0_i32, %min3A_1 : i32, i32
  }
  func.func @transform_5(%arg0: i32) -> (i32, i32) {
    %add3A = arith.constant 0 : i32
    %add3A_0 = arith.addi %add3A, %arg0 : i32
    %min3A = arith.constant 244 : i32
    %min3A_1 = arith.minsi %add3A_0, %min3A : i32
    %c0_i32 = arith.constant 0 : i32
    %c0_i32_2 = arith.constant 0 : i32
    return %c0_i32, %min3A_1 : i32, i32
  }
  func.func @transform_6(%arg0: i32) -> (i32, i32) {
    %add3A = arith.constant 62 : i32
    %add3A_0 = arith.addi %add3A, %arg0 : i32
    %min3A = arith.constant 244 : i32
    %min3A_1 = arith.minsi %add3A_0, %min3A : i32
    %c0_i32 = arith.constant 0 : i32
    %c0_i32_2 = arith.constant 0 : i32
    return %c0_i32, %min3A_1 : i32, i32
  }
  func.func @transform_7(%arg0: i32) -> (i32, i32) {
    %add3A = arith.constant 124 : i32
    %add3A_0 = arith.addi %add3A, %arg0 : i32
    %min3A = arith.constant 244 : i32
    %min3A_1 = arith.minsi %add3A_0, %min3A : i32
    %c0_i32 = arith.constant 0 : i32
    %c0_i32_2 = arith.constant 0 : i32
    return %c0_i32, %min3A_1 : i32, i32
  }
  func.func @transform_8(%arg0: i32) -> (i32, i32) {
    %add3A = arith.constant 186 : i32
    %add3A_0 = arith.addi %add3A, %arg0 : i32
    %min3A = arith.constant 244 : i32
    %min3A_1 = arith.minsi %add3A_0, %min3A : i32
    %c0_i32 = arith.constant 0 : i32
    %c0_i32_2 = arith.constant 0 : i32
    return %c0_i32, %min3A_1 : i32, i32
  }
  func.func @transform_9(%arg0: i32) -> (i32, i32) {
    %c0_i32 = arith.constant 0 : i32
    %c0_i32_0 = arith.constant 0 : i32
    return %arg0, %c0_i32 : i32, i32
  }
  func.func @transform_10(%arg0: i32) -> (i32, i32) {
    %c0_i32 = arith.constant 0 : i32
    %c0_i32_0 = arith.constant 0 : i32
    return %arg0, %c0_i32 : i32, i32
  }
}

module attributes {stable_mosaic.version = 14 : i64} {
  func.func @_tc_body(%arg0: i32, %arg1: memref<2048x1xf32, #tpu.memory_space<vmem>>, %arg2: memref<2048x128xf32, #tpu.memory_space<vmem>>, %arg3: memref<2048x128xf32, #tpu.memory_space<vmem>>, %arg4: memref<2048x1xi32, #tpu.memory_space<vmem>>, %arg5: memref<2048x1xi32, #tpu.memory_space<vmem>>, %arg6: memref<1x8xf32, #tpu.memory_space<vmem>>, %arg7: memref<1x8xf32, #tpu.memory_space<vmem>>, %arg8: memref<8x8xf32, #tpu.memory_space<vmem>>, %arg9: memref<1x8xf32, #tpu.memory_space<vmem>>, %arg10: memref<8x64xf32, #tpu.memory_space<vmem>>, %arg11: memref<32x64xf32, #tpu.memory_space<vmem>>, %arg12: memref<32x64xf32, #tpu.memory_space<vmem>>, %arg13: memref<1x64xf32, #tpu.memory_space<vmem>>, %arg14: memref<2048x64xf32, #tpu.memory_space<vmem>>) attributes {dimension_semantics = [#tpu.dimension_semantics<arbitrary>], iteration_bounds = array<i64: 8>, scalar_prefetch = 0 : i64, scratch_operands = 0 : i64, tpu.core_type = #tpu.core_type<tc>, window_params = [{transform_indices = @transform_0, window_bounds = array<i64: 2048, 1>}, {transform_indices = @transform_1, window_bounds = array<i64: 2048, 128>}, {transform_indices = @transform_2, window_bounds = array<i64: 2048, 128>}, {transform_indices = @transform_3, window_bounds = array<i64: 2048, 1>}, {transform_indices = @transform_4, window_bounds = array<i64: 2048, 1>}, {pipeline_mode = #tpu.pipeline_mode<synchronous>, transform_indices = @transform_5, window_bounds = array<i64: 1, 8>}, {pipeline_mode = #tpu.pipeline_mode<synchronous>, transform_indices = @transform_6, window_bounds = array<i64: 1, 8>}, {pipeline_mode = #tpu.pipeline_mode<synchronous>, transform_indices = @transform_7, window_bounds = array<i64: 8, 8>}, {pipeline_mode = #tpu.pipeline_mode<synchronous>, transform_indices = @transform_8, window_bounds = array<i64: 1, 8>}, {pipeline_mode = #tpu.pipeline_mode<synchronous>, transform_indices = @transform_9, window_bounds = array<i64: 8, 64>}, {pipeline_mode = #tpu.pipeline_mode<synchronous>, transform_indices = @transform_10, window_bounds = array<i64: 32, 64>}, {pipeline_mode = #tpu.pipeline_mode<synchronous>, transform_indices = @transform_11, window_bounds = array<i64: 32, 64>}, {pipeline_mode = #tpu.pipeline_mode<synchronous>, transform_indices = @transform_12, window_bounds = array<i64: 1, 64>}, {transform_indices = @transform_13, window_bounds = array<i64: 2048, 64>}]} {
    %get3A = arith.constant 0 : index
    %get3A_0 = arith.constant 0 : index
    %get3A_1 = vector.load %arg2[%get3A, %get3A_0] : memref<2048x128xf32, #tpu.memory_space<vmem>>, vector<2048x128xf32>
    %get3A_2 = arith.constant 0 : index
    %get3A_3 = arith.constant 0 : index
    %get3A_4 = vector.load %arg4[%get3A_2, %get3A_3] : memref<2048x1xi32, #tpu.memory_space<vmem>>, vector<2048x1xi32>
    %eq3A = arith.constant 0 : i32
    %eq3A_5 = vector.broadcast %eq3A : i32 to vector<2048x1xi32>
    %eq3A_6 = arith.cmpi eq, %get3A_4, %eq3A_5 : vector<2048x1xi32>
    %slice3A = vector.extract_strided_slice %get3A_1 {offsets = [0, 0], sizes = [2048, 32], strides = [1, 1]} : vector<2048x128xf32> to vector<2048x32xf32>
    %jit3A = arith.constant 0.000000e+00 : f32
    %broadcast_in_dim3A = vector.shape_cast %eq3A_6 : vector<2048x1xi1> to vector<2048x1xi1>
    %broadcast_in_dim3A_7 = vector.broadcast %broadcast_in_dim3A : vector<2048x1xi1> to vector<2048x32xi1>
    %broadcast_in_dim3A_8 = vector.broadcast %jit3A : f32 to vector<2048x32xf32>
    %select_n3A = arith.select %broadcast_in_dim3A_7, %slice3A, %broadcast_in_dim3A_8 : vector<2048x32xi1>, vector<2048x32xf32>
    %eq3A_9 = arith.constant 1 : i32
    %eq3A_10 = vector.broadcast %eq3A_9 : i32 to vector<2048x1xi32>
    %eq3A_11 = arith.cmpi eq, %get3A_4, %eq3A_10 : vector<2048x1xi32>
    %slice3A_12 = vector.extract_strided_slice %get3A_1 {offsets = [0, 32], sizes = [2048, 32], strides = [1, 1]} : vector<2048x128xf32> to vector<2048x32xf32>
    %jit3A_13 = arith.constant 0.000000e+00 : f32
    %broadcast_in_dim3A_14 = vector.shape_cast %eq3A_11 : vector<2048x1xi1> to vector<2048x1xi1>
    %broadcast_in_dim3A_15 = vector.broadcast %broadcast_in_dim3A_14 : vector<2048x1xi1> to vector<2048x32xi1>
    %broadcast_in_dim3A_16 = vector.broadcast %jit3A_13 : f32 to vector<2048x32xf32>
    %select_n3A_17 = arith.select %broadcast_in_dim3A_15, %slice3A_12, %broadcast_in_dim3A_16 : vector<2048x32xi1>, vector<2048x32xf32>
    %add3A = arith.addf %select_n3A, %select_n3A_17 : vector<2048x32xf32>
    %eq3A_18 = arith.constant 2 : i32
    %eq3A_19 = vector.broadcast %eq3A_18 : i32 to vector<2048x1xi32>
    %eq3A_20 = arith.cmpi eq, %get3A_4, %eq3A_19 : vector<2048x1xi32>
    %slice3A_21 = vector.extract_strided_slice %get3A_1 {offsets = [0, 64], sizes = [2048, 32], strides = [1, 1]} : vector<2048x128xf32> to vector<2048x32xf32>
    %jit3A_22 = arith.constant 0.000000e+00 : f32
    %broadcast_in_dim3A_23 = vector.shape_cast %eq3A_20 : vector<2048x1xi1> to vector<2048x1xi1>
    %broadcast_in_dim3A_24 = vector.broadcast %broadcast_in_dim3A_23 : vector<2048x1xi1> to vector<2048x32xi1>
    %broadcast_in_dim3A_25 = vector.broadcast %jit3A_22 : f32 to vector<2048x32xf32>
    %select_n3A_26 = arith.select %broadcast_in_dim3A_24, %slice3A_21, %broadcast_in_dim3A_25 : vector<2048x32xi1>, vector<2048x32xf32>
    %add3A_27 = arith.addf %add3A, %select_n3A_26 : vector<2048x32xf32>
    %eq3A_28 = arith.constant 3 : i32
    %eq3A_29 = vector.broadcast %eq3A_28 : i32 to vector<2048x1xi32>
    %eq3A_30 = arith.cmpi eq, %get3A_4, %eq3A_29 : vector<2048x1xi32>
    %slice3A_31 = vector.extract_strided_slice %get3A_1 {offsets = [0, 96], sizes = [2048, 32], strides = [1, 1]} : vector<2048x128xf32> to vector<2048x32xf32>
    %jit3A_32 = arith.constant 0.000000e+00 : f32
    %broadcast_in_dim3A_33 = vector.shape_cast %eq3A_30 : vector<2048x1xi1> to vector<2048x1xi1>
    %broadcast_in_dim3A_34 = vector.broadcast %broadcast_in_dim3A_33 : vector<2048x1xi1> to vector<2048x32xi1>
    %broadcast_in_dim3A_35 = vector.broadcast %jit3A_32 : f32 to vector<2048x32xf32>
    %select_n3A_36 = arith.select %broadcast_in_dim3A_34, %slice3A_31, %broadcast_in_dim3A_35 : vector<2048x32xi1>, vector<2048x32xf32>
    %add3A_37 = arith.addf %add3A_27, %select_n3A_36 : vector<2048x32xf32>
    %get3A_38 = arith.constant 0 : index
    %get3A_39 = arith.constant 0 : index
    %get3A_40 = vector.load %arg3[%get3A_38, %get3A_39] : memref<2048x128xf32, #tpu.memory_space<vmem>>, vector<2048x128xf32>
    %get3A_41 = arith.constant 0 : index
    %get3A_42 = arith.constant 0 : index
    %get3A_43 = vector.load %arg5[%get3A_41, %get3A_42] : memref<2048x1xi32, #tpu.memory_space<vmem>>, vector<2048x1xi32>
    %eq3A_44 = arith.constant 0 : i32
    %eq3A_45 = vector.broadcast %eq3A_44 : i32 to vector<2048x1xi32>
    %eq3A_46 = arith.cmpi eq, %get3A_43, %eq3A_45 : vector<2048x1xi32>
    %slice3A_47 = vector.extract_strided_slice %get3A_40 {offsets = [0, 0], sizes = [2048, 32], strides = [1, 1]} : vector<2048x128xf32> to vector<2048x32xf32>
    %jit3A_48 = arith.constant 0.000000e+00 : f32
    %broadcast_in_dim3A_49 = vector.shape_cast %eq3A_46 : vector<2048x1xi1> to vector<2048x1xi1>
    %broadcast_in_dim3A_50 = vector.broadcast %broadcast_in_dim3A_49 : vector<2048x1xi1> to vector<2048x32xi1>
    %broadcast_in_dim3A_51 = vector.broadcast %jit3A_48 : f32 to vector<2048x32xf32>
    %select_n3A_52 = arith.select %broadcast_in_dim3A_50, %slice3A_47, %broadcast_in_dim3A_51 : vector<2048x32xi1>, vector<2048x32xf32>
    %eq3A_53 = arith.constant 1 : i32
    %eq3A_54 = vector.broadcast %eq3A_53 : i32 to vector<2048x1xi32>
    %eq3A_55 = arith.cmpi eq, %get3A_43, %eq3A_54 : vector<2048x1xi32>
    %slice3A_56 = vector.extract_strided_slice %get3A_40 {offsets = [0, 32], sizes = [2048, 32], strides = [1, 1]} : vector<2048x128xf32> to vector<2048x32xf32>
    %jit3A_57 = arith.constant 0.000000e+00 : f32
    %broadcast_in_dim3A_58 = vector.shape_cast %eq3A_55 : vector<2048x1xi1> to vector<2048x1xi1>
    %broadcast_in_dim3A_59 = vector.broadcast %broadcast_in_dim3A_58 : vector<2048x1xi1> to vector<2048x32xi1>
    %broadcast_in_dim3A_60 = vector.broadcast %jit3A_57 : f32 to vector<2048x32xf32>
    %select_n3A_61 = arith.select %broadcast_in_dim3A_59, %slice3A_56, %broadcast_in_dim3A_60 : vector<2048x32xi1>, vector<2048x32xf32>
    %add3A_62 = arith.addf %select_n3A_52, %select_n3A_61 : vector<2048x32xf32>
    %eq3A_63 = arith.constant 2 : i32
    %eq3A_64 = vector.broadcast %eq3A_63 : i32 to vector<2048x1xi32>
    %eq3A_65 = arith.cmpi eq, %get3A_43, %eq3A_64 : vector<2048x1xi32>
    %slice3A_66 = vector.extract_strided_slice %get3A_40 {offsets = [0, 64], sizes = [2048, 32], strides = [1, 1]} : vector<2048x128xf32> to vector<2048x32xf32>
    %jit3A_67 = arith.constant 0.000000e+00 : f32
    %broadcast_in_dim3A_68 = vector.shape_cast %eq3A_65 : vector<2048x1xi1> to vector<2048x1xi1>
    %broadcast_in_dim3A_69 = vector.broadcast %broadcast_in_dim3A_68 : vector<2048x1xi1> to vector<2048x32xi1>
    %broadcast_in_dim3A_70 = vector.broadcast %jit3A_67 : f32 to vector<2048x32xf32>
    %select_n3A_71 = arith.select %broadcast_in_dim3A_69, %slice3A_66, %broadcast_in_dim3A_70 : vector<2048x32xi1>, vector<2048x32xf32>
    %add3A_72 = arith.addf %add3A_62, %select_n3A_71 : vector<2048x32xf32>
    %eq3A_73 = arith.constant 3 : i32
    %eq3A_74 = vector.broadcast %eq3A_73 : i32 to vector<2048x1xi32>
    %eq3A_75 = arith.cmpi eq, %get3A_43, %eq3A_74 : vector<2048x1xi32>
    %slice3A_76 = vector.extract_strided_slice %get3A_40 {offsets = [0, 96], sizes = [2048, 32], strides = [1, 1]} : vector<2048x128xf32> to vector<2048x32xf32>
    %jit3A_77 = arith.constant 0.000000e+00 : f32
    %broadcast_in_dim3A_78 = vector.shape_cast %eq3A_75 : vector<2048x1xi1> to vector<2048x1xi1>
    %broadcast_in_dim3A_79 = vector.broadcast %broadcast_in_dim3A_78 : vector<2048x1xi1> to vector<2048x32xi1>
    %broadcast_in_dim3A_80 = vector.broadcast %jit3A_77 : f32 to vector<2048x32xf32>
    %select_n3A_81 = arith.select %broadcast_in_dim3A_79, %slice3A_76, %broadcast_in_dim3A_80 : vector<2048x32xi1>, vector<2048x32xf32>
    %add3A_82 = arith.addf %add3A_72, %select_n3A_81 : vector<2048x32xf32>
    %get3A_83 = arith.constant 0 : index
    %get3A_84 = arith.constant 0 : index
    %get3A_85 = vector.load %arg1[%get3A_83, %get3A_84] : memref<2048x1xf32, #tpu.memory_space<vmem>>, vector<2048x1xf32>
    %get3A_86 = arith.constant 0 : index
    %get3A_87 = arith.constant 0 : index
    %get3A_88 = vector.load %arg6[%get3A_86, %get3A_87] : memref<1x8xf32, #tpu.memory_space<vmem>>, vector<1x8xf32>
    %mul3A = vector.broadcast %get3A_85 : vector<2048x1xf32> to vector<2048x8xf32>
    %mul3A_89 = vector.broadcast %get3A_88 : vector<1x8xf32> to vector<2048x8xf32>
    %mul3A_90 = arith.mulf %mul3A, %mul3A_89 : vector<2048x8xf32>
    %get3A_91 = arith.constant 0 : index
    %get3A_92 = arith.constant 0 : index
    %get3A_93 = vector.load %arg7[%get3A_91, %get3A_92] : memref<1x8xf32, #tpu.memory_space<vmem>>, vector<1x8xf32>
    %add3A_94 = vector.broadcast %get3A_93 : vector<1x8xf32> to vector<2048x8xf32>
    %add3A_95 = arith.addf %mul3A_90, %add3A_94 : vector<2048x8xf32>
    %max3A = arith.constant 0.000000e+00 : f32
    %max3A_96 = vector.broadcast %max3A : f32 to vector<2048x8xf32>
    %max3A_97 = arith.maximumf %add3A_95, %max3A_96 : vector<2048x8xf32>
    %get3A_98 = arith.constant 0 : index
    %get3A_99 = arith.constant 0 : index
    %get3A_100 = vector.load %arg8[%get3A_98, %get3A_99] : memref<8x8xf32, #tpu.memory_space<vmem>>, vector<8x8xf32>
    %dot_general3A = arith.constant dense<0.000000e+00> : vector<2048x8xf32>
    %dot_general3A_101 = tpu.matmul %max3A_97, %get3A_100, %dot_general3A {dimension_numbers = #tpu.dot_dimension_numbers<[1], [0], [0], [1], [0, 0, 1, 1], [], []>, transpose_lhs_hint = false} : vector<2048x8xf32>, vector<8x8xf32>, vector<2048x8xf32> -> vector<2048x8xf32>
    %get3A_102 = arith.constant 0 : index
    %get3A_103 = arith.constant 0 : index
    %get3A_104 = vector.load %arg9[%get3A_102, %get3A_103] : memref<1x8xf32, #tpu.memory_space<vmem>>, vector<1x8xf32>
    %add3A_105 = vector.broadcast %get3A_104 : vector<1x8xf32> to vector<2048x8xf32>
    %add3A_106 = arith.addf %dot_general3A_101, %add3A_105 : vector<2048x8xf32>
    %max3A_107 = arith.constant 0.000000e+00 : f32
    %max3A_108 = vector.broadcast %max3A_107 : f32 to vector<2048x8xf32>
    %max3A_109 = arith.maximumf %add3A_106, %max3A_108 : vector<2048x8xf32>
    %get3A_110 = arith.constant 0 : index
    %get3A_111 = arith.constant 0 : index
    %get3A_112 = vector.load %arg10[%get3A_110, %get3A_111] : memref<8x64xf32, #tpu.memory_space<vmem>>, vector<8x64xf32>
    %dot_general3A_113 = arith.constant dense<0.000000e+00> : vector<2048x64xf32>
    %dot_general3A_114 = tpu.matmul %max3A_109, %get3A_112, %dot_general3A_113 {dimension_numbers = #tpu.dot_dimension_numbers<[1], [0], [0], [1], [0, 0, 1, 1], [], []>, transpose_lhs_hint = false} : vector<2048x8xf32>, vector<8x64xf32>, vector<2048x64xf32> -> vector<2048x64xf32>
    %get3A_115 = arith.constant 0 : index
    %get3A_116 = arith.constant 0 : index
    %get3A_117 = vector.load %arg11[%get3A_115, %get3A_116] : memref<32x64xf32, #tpu.memory_space<vmem>>, vector<32x64xf32>
    %dot_general3A_118 = arith.constant dense<0.000000e+00> : vector<2048x64xf32>
    %dot_general3A_119 = tpu.matmul %add3A_37, %get3A_117, %dot_general3A_118 {dimension_numbers = #tpu.dot_dimension_numbers<[1], [0], [0], [1], [0, 0, 1, 1], [], []>, transpose_lhs_hint = false} : vector<2048x32xf32>, vector<32x64xf32>, vector<2048x64xf32> -> vector<2048x64xf32>
    %add3A_120 = arith.addf %dot_general3A_114, %dot_general3A_119 : vector<2048x64xf32>
    %get3A_121 = arith.constant 0 : index
    %get3A_122 = arith.constant 0 : index
    %get3A_123 = vector.load %arg12[%get3A_121, %get3A_122] : memref<32x64xf32, #tpu.memory_space<vmem>>, vector<32x64xf32>
    %dot_general3A_124 = arith.constant dense<0.000000e+00> : vector<2048x64xf32>
    %dot_general3A_125 = tpu.matmul %add3A_82, %get3A_123, %dot_general3A_124 {dimension_numbers = #tpu.dot_dimension_numbers<[1], [0], [0], [1], [0, 0, 1, 1], [], []>, transpose_lhs_hint = false} : vector<2048x32xf32>, vector<32x64xf32>, vector<2048x64xf32> -> vector<2048x64xf32>
    %add3A_126 = arith.addf %add3A_120, %dot_general3A_125 : vector<2048x64xf32>
    %get3A_127 = arith.constant 0 : index
    %get3A_128 = arith.constant 0 : index
    %get3A_129 = vector.load %arg13[%get3A_127, %get3A_128] : memref<1x64xf32, #tpu.memory_space<vmem>>, vector<1x64xf32>
    %add3A_130 = vector.broadcast %get3A_129 : vector<1x64xf32> to vector<2048x64xf32>
    %add3A_131 = arith.addf %add3A_126, %add3A_130 : vector<2048x64xf32>
    %max3A_132 = arith.constant 0.000000e+00 : f32
    %max3A_133 = vector.broadcast %max3A_132 : f32 to vector<2048x64xf32>
    %max3A_134 = arith.maximumf %add3A_131, %max3A_133 : vector<2048x64xf32>
    %swap3A = arith.constant 0 : index
    %swap3A_135 = arith.constant 0 : index
    %swap3A_136 = vector.load %arg14[%swap3A, %swap3A_135] : memref<2048x64xf32, #tpu.memory_space<vmem>>, vector<2048x64xf32>
    tpu.vector_store %arg14[%swap3A, %swap3A_135], %max3A_134 {strides = array<i32>} : memref<2048x64xf32, #tpu.memory_space<vmem>>, vector<2048x64xf32>,
    return
  }
  func.func @transform_0(%arg0: i32) -> (i32, i32) {
    %c0_i32 = arith.constant 0 : i32
    %c0_i32_0 = arith.constant 0 : i32
    return %arg0, %c0_i32 : i32, i32
  }
  func.func @transform_1(%arg0: i32) -> (i32, i32) {
    %c0_i32 = arith.constant 0 : i32
    %c0_i32_0 = arith.constant 0 : i32
    return %arg0, %c0_i32 : i32, i32
  }
  func.func @transform_2(%arg0: i32) -> (i32, i32) {
    %c0_i32 = arith.constant 0 : i32
    %c0_i32_0 = arith.constant 0 : i32
    return %arg0, %c0_i32 : i32, i32
  }
  func.func @transform_3(%arg0: i32) -> (i32, i32) {
    %c0_i32 = arith.constant 0 : i32
    %c0_i32_0 = arith.constant 0 : i32
    return %arg0, %c0_i32 : i32, i32
  }
  func.func @transform_4(%arg0: i32) -> (i32, i32) {
    %c0_i32 = arith.constant 0 : i32
    %c0_i32_0 = arith.constant 0 : i32
    return %arg0, %c0_i32 : i32, i32
  }
  func.func @transform_5(%arg0: i32) -> (i32, i32) {
    %c0_i32 = arith.constant 0 : i32
    %c0_i32_0 = arith.constant 0 : i32
    %c0_i32_1 = arith.constant 0 : i32
    return %c0_i32, %c0_i32_0 : i32, i32
  }
  func.func @transform_6(%arg0: i32) -> (i32, i32) {
    %c0_i32 = arith.constant 0 : i32
    %c0_i32_0 = arith.constant 0 : i32
    %c0_i32_1 = arith.constant 0 : i32
    return %c0_i32, %c0_i32_0 : i32, i32
  }
  func.func @transform_7(%arg0: i32) -> (i32, i32) {
    %c0_i32 = arith.constant 0 : i32
    %c0_i32_0 = arith.constant 0 : i32
    %c0_i32_1 = arith.constant 0 : i32
    return %c0_i32, %c0_i32_0 : i32, i32
  }
  func.func @transform_8(%arg0: i32) -> (i32, i32) {
    %c0_i32 = arith.constant 0 : i32
    %c0_i32_0 = arith.constant 0 : i32
    %c0_i32_1 = arith.constant 0 : i32
    return %c0_i32, %c0_i32_0 : i32, i32
  }
  func.func @transform_9(%arg0: i32) -> (i32, i32) {
    %c0_i32 = arith.constant 0 : i32
    %c0_i32_0 = arith.constant 0 : i32
    %c0_i32_1 = arith.constant 0 : i32
    return %c0_i32, %c0_i32_0 : i32, i32
  }
  func.func @transform_10(%arg0: i32) -> (i32, i32) {
    %c0_i32 = arith.constant 0 : i32
    %c0_i32_0 = arith.constant 0 : i32
    %c0_i32_1 = arith.constant 0 : i32
    return %c0_i32, %c0_i32_0 : i32, i32
  }
  func.func @transform_11(%arg0: i32) -> (i32, i32) {
    %c0_i32 = arith.constant 0 : i32
    %c0_i32_0 = arith.constant 0 : i32
    %c0_i32_1 = arith.constant 0 : i32
    return %c0_i32, %c0_i32_0 : i32, i32
  }
  func.func @transform_12(%arg0: i32) -> (i32, i32) {
    %c0_i32 = arith.constant 0 : i32
    %c0_i32_0 = arith.constant 0 : i32
    %c0_i32_1 = arith.constant 0 : i32
    return %c0_i32, %c0_i32_0 : i32, i32
  }
  func.func @transform_13(%arg0: i32) -> (i32, i32) {
    %c0_i32 = arith.constant 0 : i32
    %c0_i32_0 = arith.constant 0 : i32
    return %arg0, %c0_i32 : i32, i32
  }
}

</mosaic_0001>

<sc_bundles>
// kernel: kernel.5.cloned.1.call-start
scs
__scs_entry_jumppad:
0x0: {  	(pc) =	sbr.rel $0x88, $3  }
0x1: {  	(tag) =	ssettag $0x0;
	lr =	simm.s32 $0x1  }
0x2: {  	[smem:$0x3F96] =	sst lr;
	_ =	strace $0xD0000000  }
0x3: {  	_ = 	snop  }
0x4: {  	_ = 	snop  }
0x5: {  	_ = 	snop  }
0x6: {  	_ = 	snop  }
0x7: {  	_ = 	snop  }
__scs_overlays_trampoline_lowered:
0x8: {  	[smem:$0x3FA5] =	sst s0  }
0x9: {  	[smem:$0x3FA6] =	sst s1  }
0xa: {  	[smem:$0x3FA7] =	sst s2  }
0xb: {  	[smem:$0x3FA8] =	sst s3  }
0xc: {  	[smem:$0x3FA9] =	sst s4  }
0xd: {  	[smem:$0x3FAA] =	sst s5  }
0xe: {  	[smem:$0x3FAB] =	sst s6  }
0xf: {  	[smem:$0x3FAC] =	sst s7  }
0x10: {  	[smem:$0x3FAD] =	sst s8  }
0x11: {  	[smem:$0x3FAE] =	sst s9;
	s0 =	simm.s32 @!p0 $0x0  }
0x12: {  	s1 =	sld [smem:$0x3F94];
	s0 =	simm.s32 @p0 $0x1  }
0x13: {  	[smem:$0x3FAF] =	sst s0;
	s0 =	simm.s32 @!p1 $0x0  }
0x14: {  	s2 =	sld [smem:$0x3F93];
	s0 =	simm.s32 @p1 $0x1  }
0x15: {  	[smem:$0x3FB0] =	sst s0;
	s0 =	simm.s32 @!p2 $0x0  }
0x16: {  	s3 =	sld [smem:$0x3FDB];
	s0 =	simm.s32 @p2 $0x1  }
0x17: {  	s4 =	simm.s32 $0x1BF5;
	[smem:$0x3FB2] =	sst s0  }
0x18: {  	s0 =	sld [smem:$0x3F95];
	_ =	swait.ge [sflag:s4], $0x0  }
0x19: {  	s7 =	sld [smem:$0x3F96]  }
0x1a: {  	s8 =	sadd.s32 $0xFFFFE003, lr  }
0x1b: {  	s9 =	sadd.s32 $0xFFFFFEF7, lr;
	s5 =	simm.s32 $0xFFFFFFFF;
	p2 =	slt.u32 s8, $0xFFFFF086  }
0x1c: {  	p1 =	slt.u32 s9, $0xF7A;
	s5 =	simm.s32 @!p2 $0x0  }
0x1d: {  	s5 =	simm.s32 @p1 $0x1;
	p0 =	seq.s32 s7, s2  }
0x1e: {  	s7 =	smul.u32 @!p0 $0xF7A, s2;
	p2 =	seq.s32 @!p0 s5, $0x0  }
0x1f: {  	s9 =	smul.u32 $0xF7A, s1;
	s8 =	simm.s32 @!p0 $0x1BF5;
	p2 =	por !p2, p0  }
0x20: {  	[sflag:s8] =	ssyncset.s32 @!p0 $0xFFFFF086;
	s6 =	sadd.s32 @!p0 s3, s7;
	s7 =	simm.s32 @!p0 $0x108  }
0x21: {  	s3 =	sadd.s32 s3, s9;
	s6 =	sadd.s32 @!p0 $0x88, s6;
	s7 =	simm.s32 @p2 $0x1082  }
0x22: {  	[simem:s7], [sflag:s8] =	dma.local @!p0 [hbm:s6], $0xF7A  }
0x23: {  	s9 =	sor.u32 $0xD0000000, s2;
	s6 =	simm.s32 $0x108;
	_ =	swait.ge @!p0 [sflag:s8], $0x0  }
0x24: {  	s3 =	sadd.s32 $0x88, s3;
	s6 =	simm.s32 @!p1 $0x1082;
	[sflag:s4] =	ssyncset.s32 $0xFFFFF086  }
0x25: {  	[simem:s6], [sflag:s4] =	dma.local [hbm:s3], $0xF7A  }
0x26: {  	[smem:$0x3F96] =	sst s1;
	(tag) =	ssettag s2;
	_ =	strace s9  }
0x27: {  	s1 =	sld [smem:$0x3FA6]  }
0x28: {  	s2 =	sld [smem:$0x3FA7]  }
0x29: {  	s4 =	sld [smem:$0x3FA9]  }
0x2a: {  	p0 =	seq.s32 s5, $0x0;
	s5 =	sld [smem:$0x3FAA]  }
0x2b: {  	s6 =	sld [smem:$0x3FAB]  }
0x2c: {  	s7 =	sld [smem:$0x3FAC]  }
0x2d: {  	s3 =	simm.s32 $0x108;
	s8 =	sld [smem:$0x3FAD]  }
0x2e: {  	s3 =	simm.s32 @!p0 $0x1082;
	s9 =	sld [smem:$0x3FAE]  }
0x2f: {  	lr =	sadd.s32 s0, s3;
	s0 =	sld [smem:$0x3FA5]  }
0x30: {  	s3 =	sld [smem:$0x3FA8]  }
0x31: {  	[smem:$0x3FB1] =	sst s10  }
0x32: {  	s10 =	sld [smem:$0x3FAF];
	_ =	sdelay $0x3  }
0x33: {  	p0 =	seq.s32 s10, $0x1;
	s10 =	sld [smem:$0x3FB1];
	_ =	sdelay $0x3  }
0x34: {  	[smem:$0x3FB1] =	sst s10  }
0x35: {  	s10 =	sld [smem:$0x3FB0];
	_ =	sdelay $0x3  }
0x36: {  	p1 =	seq.s32 s10, $0x1;
	s10 =	sld [smem:$0x3FB1];
	_ =	sdelay $0x3  }
0x37: {  	[smem:$0x3FB1] =	sst s10  }
0x38: {  	s10 =	sld [smem:$0x3FB2]  }
0x39: {  	_ = 	snop;
	(pc) =	sbr.ind lr, $3  }
0x3a: {  	_ = 	snop  }
0x3b: {  	_ = 	snop  }
0x3c: {  	p2 =	seq.s32 s10, $0x1;
	s10 =	sld [smem:$0x3FB1]  }
0x3d: {  	_ =	shalt  }
0x3e: {  	_ =	shalt  }
0x3f: {  	_ =	shalt  }
0x40: {  	_ =	shalt  }
0x41: {  	_ =	shalt  }
0x42: {  	_ =	shalt  }
0x43: {  	_ =	shalt  }
0x44: {  	_ =	shalt  }
0x45: {  	_ =	shalt  }
0x46: {  	_ =	shalt  }
0x47: {  	_ =	shalt  }
0x48: {  	_ =	shalt  }
0x49: {  	_ =	shalt  }
0x4a: {  	_ =	shalt  }
0x4b: {  	_ =	shalt  }
0x4c: {  	_ =	shalt  }
0x4d: {  	_ =	shalt  }
0x4e: {  	_ =	shalt  }
0x4f: {  	_ =	shalt  }
0x50: {  	_ =	shalt  }
0x51: {  	_ =	shalt  }
0x52: {  	_ =	shalt  }
0x53: {  	_ =	shalt  }
0x54: {  	_ =	shalt  }
0x55: {  	_ =	shalt  }
0x56: {  	_ =	shalt  }
0x57: {  	_ =	shalt  }
0x58: {  	_ =	shalt  }
0x59: {  	_ =	shalt  }
0x5a: {  	_ =	shalt  }
0x5b: {  	_ =	shalt  }
0x5c: {  	_ =	shalt  }
0x5d: {  	_ =	shalt  }
0x5e: {  	_ =	shalt  }
0x5f: {  	_ =	shalt  }
0x60: {  	_ =	shalt  }
0x61: {  	_ =	shalt  }
0x62: {  	_ =	shalt  }
0x63: {  	_ =	shalt  }
0x64: {  	_ =	shalt  }
0x65: {  	_ =	shalt  }
0x66: {  	_ =	shalt  }
0x67: {  	_ =	shalt  }
0x68: {  	_ =	shalt  }
0x69: {  	_ =	shalt  }
0x6a: {  	_ =	shalt  }
0x6b: {  	_ =	shalt  }
0x6c: {  	_ =	shalt  }
0x6d: {  	_ =	shalt  }
0x6e: {  	_ =	shalt  }
0x6f: {  	_ =	shalt  }
0x70: {  	_ =	shalt  }
0x71: {  	_ =	shalt  }
0x72: {  	_ =	shalt  }
0x73: {  	_ =	shalt  }
0x74: {  	_ =	shalt  }
0x75: {  	_ =	shalt  }
0x76: {  	_ =	shalt  }
0x77: {  	_ =	shalt  }
0x78: {  	_ =	shalt  }
0x79: {  	_ =	shalt  }
0x7a: {  	_ =	shalt  }
0x7b: {  	_ =	shalt  }
0x7c: {  	_ =	shalt  }
0x7d: {  	_ =	shalt  }
0x7e: {  	_ =	shalt  }
0x7f: {  	_ =	shalt  }
0x80: {  	_ =	shalt  }
0x81: {  	_ =	shalt  }
0x82: {  	_ =	shalt  }
0x83: {  	_ =	shalt  }
0x84: {  	_ =	shalt  }
0x85: {  	_ =	shalt  }
0x86: {  	_ =	shalt  }
0x87: {  	_ =	shalt  }
.Lfunc_end0:
.L_simem_size_0:
called_computation_lowered:
.L_overlay_start_0:
0x88: {  	s2 =	sld [smem:$0x3FD9]  }
0x89: {  	s3 =	sld [smem:$0x3FFE];
	_ =	sdelay $0x1  }
0x8a: {  	s1 =	srdreg.scid  }
0x8b: {  	s0 =	sand.u32 $0x1, s1  }
0x8c: {  	s16 =	sshll.u32 s0, $0xA;
	s2 =	sadd.s32 s3, s2  }
0x8d: {  	s2 =	sadd.s32 s2, s16  }
0x8e: {  	[smem:$0x3FBD] =	sst s2  }
0x8f: {  	_ = 	snop  }
0x90: {  	(tm) =	ssettm $0x1  }
0x91: {  	s17 =	sld [smem:$0x3FFB];
	_ =	sdelay $0x3  }
0x92: {  	_ =	strace s17  }
0x93: {  	s2 =	sld [smem:$0x3FFC];
	_ =	sdelay $0x3  }
0x94: {  	_ =	strace s2  }
0x95: {  	s2 =	sld [smem:$0x3FFD];
	_ =	sdelay $0x3  }
0x96: {  	_ =	strace s2  }
0x97: {  	_ =	strace $0x8FFFFFFF  }
0x98: {  	s18 =	sld [smem:$0x3FDB];
	_ =	sdelay $0x1  }
0x99: {  	s19 =	simm.s32 $_scs_section_size  }
0x9a: {  	s4 =	simm.s32 $_size__tile_overlayer_lowered;
	s5 =	simm.s32 $_tile_overlayer_lowered  }
0x9b: {  	s22 =	simm.s32 $0x1BFF;
	s21 =	sshll.u32 s5, $0x1;
	s2 =	sadd.s32 s19, s18  }
0x9c: {  	s6 =	simm.s32 $0x0;
	s20 =	sshll.u32 s4, $0x1;
	s4 =	sadd.s32 s21, s2  }
0x9d: {  	[timem:s6], [sflag:s22] =	dma.local [hbm:s4], s20  }
0x9e: {  	_ =	swait.ge [sflag:s22], s20  }
0x9f: {  	s3 =	ssub.s32 $0x0, s20;
	[sflag:s22] =	ssyncset.done $0x0  }
0xa0: {  	[sflag:s22] =	ssyncadd.s32 s3;
	_ =	sdelay $0x1  }
0xa1: {  	s23 =	simm.s32 $0x1B8B  }
0xa2: {  	_ =	swait.ge [sflag:s23], $0x1  }
0xa3: {  	[sflag:s23] =	ssyncset.done $0x0  }
0xa4: {  	s25 =	simm.s32 $0x1B8E;
	s24 =	sld [smem:$0x3FFE];
	[sflag:s23] =	ssyncadd.s32 $0xFFFFFFFF  }
0xa5: {  	s26 =	simm.s32 $execute0_lowered;
	[smem:$0x3FD2] =	sst s25  }
0xa6: {  	s4 =	sshll.u32 s26, $0x1;
	_ =	strace $0x80000046;
	[dreg:$0x1] =	wrdreg $0xFFFFFFFF  }
0xa7: {  	s28 =	simm.s32 $_size_execute0_lowered;
	s2 =	sadd.s32 s2, s4;
	[dreg:$0x0] =	wrdreg $0x0  }
0xa8: {  	s4 =	sshll.u32 s28, $0x1;
	[dreg:$0x2] =	wrdreg s2  }
0xa9: {  	[dreg:$0x3] =	wrdreg s4  }
0xaa: {  	[dreg:$0x4] =	wrdreg $0xC0  }
0xab: {  	_ =	task [dreg:s6], $0x5FFFF  }
0xac: {  	[dreg:$0x1] =	wrdreg $0xFFFFFFFF  }
0xad: {  	[dreg:$0x0] =	wrdreg $0x60  }
0xae: {  	[dreg:$0x2] =	wrdreg s24  }
0xaf: {  	[dreg:$0x3] =	wrdreg $0x9  }
0xb0: {  	_ =	task.clear_ibuf [dreg:s6], $0x4FFFF;
	_ =	strace $0x90000046  }
0xb1: {  	s29 =	simm.s32 $0x9;
	_ =	strace $0x80000048  }
0xb2: {  	_ =	swait.ge [sflag:s29], $0x1  }
0xb3: {  	[sflag:s29] =	ssyncadd.s32 $0xFFFFFFFF  }
0xb4: {  	_ =	strace $0x90000048  }
0xb5: {  	_ =	sfence  }
0xb6: {  	s30 =	sld [smem:$0x0];
	_ =	sdelay $0x2  }
0xb7: {  	s31 =	sshll.u32 s1, $0xD;
	s1 =	sshrl.u32 s1, $0x2  }
0xb8: {  	s3 =	sand.u32 $0x4000, s31;
	s1 =	sadd.s32 s1, s30  }
0xb9: {  	s0 =	sor.u32 s3, s0;
	s1 =	sshll.u32 s1, $0x11  }
0xba: {  	s0 =	sor.u32 s1, s0  }
0xbb: {  	s0 =	sadd.s32 $0x8F2B, s0  }
0xbc: {  	[sflag:s0] =	ssyncadd.remote.s32 $0x1  }
0xbd: {  	_ =	sfence.sel $0xFFFF  }
0xbe: {  	[dreg:$0x0] =	wrdreg $0xFFFFFFFF;
	(pc) =	sbr.abs _section_cstart, $3  }
0xbf: {  	[dreg:$0x1] =	wrdreg $0xFFFFFFFF  }
0xc0: {  	_ =	task.clear_ibuf [dreg:s6], $0x2FFFF;
	_ =	strace $0x9FFFFFFF  }
0xc1: {  	(tm) =	ssettm $0x7FFFFFFF  }
tec
execute0_lowered:
.L_overlay_start_1:
0x0: {  	(tag) =	ssettag $0x1  }
0x1: {  	s1 =	srdreg.scid  }
0x2: {  	s0 =	stileid.u32;
	s23 =	sand.u32 $0x1, s1  }
0x3: {  	s22 =	rddreg [dreg:$0x0];
	s3 =	sshll.u32 s0, $0xA;
	s4 =	sshll.u32 s23, $0x9  }
0x4: {  	s2 =	simm.s32 $0x0;
	s1 =	rddreg [dreg:$0x1];
	s17 =	sor.u32 s4, s3  }
0x5: {  	[smem:$0x7FF] =	sst s2;
	s9 =	sadd.s32 $0x3000, s22;
	s18 =	sshrl.u32 s17, $0x3  }
0x6: {  	_ =	strace $0x80000047;
	s3 =	simm.s32 $0x2;
	s4 =	sadd.s32 s9, s18  }
0x7: {  	[tilespmem:s2], [sflag:$0x2] =	stream.linear.gather [hbm4b:s4+s2], $0x80, $0x38;
	[tilespmem:$0x10200] =	vst v63  }
0x8: {  	_ =	swait.ge [sflag:s3], $0x80  }
0x9: {  	s19 =	sor.u32 $0x10, s18;
	[sflag:s3] =	ssyncset.done $0x0  }
0xa: {  	s6 =	simm.s32 $0x80;
	s5 =	sadd.s32 s9, s19;
	[sflag:s3] =	ssyncadd.s32 $0xFFFFFF80  }
0xb: {  	[tilespmem:s6], [sflag:$0x2] =	stream.linear.gather [hbm4b:s5+s2], $0x80, $0x38;
	[tilespmem:$0x10200] =	vst v63  }
0xc: {  	_ =	swait.ge [sflag:s3], $0x80  }
0xd: {  	s20 =	sor.u32 $0x20, s18;
	[sflag:s3] =	ssyncset.done $0x0  }
0xe: {  	s8 =	simm.s32 $0x100;
	s7 =	sadd.s32 s9, s20;
	[sflag:s3] =	ssyncadd.s32 $0xFFFFFF80  }
0xf: {  	[tilespmem:s8], [sflag:$0x2] =	stream.linear.gather [hbm4b:s7+s2], $0x80, $0x38;
	[tilespmem:$0x10200] =	vst v63  }
0x10: {  	_ =	swait.ge [sflag:s3], $0x80  }
0x11: {  	s21 =	sor.u32 $0x30, s18;
	[sflag:s3] =	ssyncset.done $0x0  }
0x12: {  	s10 =	simm.s32 $0x180;
	s9 =	sadd.s32 s9, s21;
	[sflag:s3] =	ssyncadd.s32 $0xFFFFFF80  }
0x13: {  	[tilespmem:s10], [sflag:$0x2] =	stream.linear.gather [hbm4b:s9+s2], $0x80, $0x38;
	[tilespmem:$0x10200] =	vst v63  }
0x14: {  	_ =	swait.ge [sflag:s3], $0x80  }
0x15: {  	[sflag:s3] =	ssyncset.done $0x0  }
0x16: {  	s12 =	simm.s32 $0x200;
	s11 =	sadd.s32 $0x3800, s22;
	[sflag:s3] =	ssyncadd.s32 $0xFFFFFF80  }
0x17: {  	[tilespmem:s12], [sflag:$0x1] =	stream.indirect.gather [hbm4b:s11+s6], $0x80, s2, s6, $0xb8;
	[tilespmem:$0x10200] =	vst v63  }
0x18: {  	s13 =	simm.s32 $0x4200  }
0x19: {  	[tilespmem:s13], [sflag:$0x1] =	stream.indirect.gather [hbm4b:s11+s6], $0x80, s6, s6, $0xb8;
	[tilespmem:$0x10200] =	vst v63  }
0x1a: {  	s14 =	simm.s32 $0x8200  }
0x1b: {  	[tilespmem:s14], [sflag:$0x1] =	stream.indirect.gather [hbm4b:s11+s6], $0x80, s8, s6, $0xb8;
	[tilespmem:$0x10200] =	vst v63  }
0x1c: {  	s15 =	simm.s32 $0xC200;
	s16 =	simm.s32 $0x1  }
0x1d: {  	[tilespmem:s15], [sflag:$0x1] =	stream.indirect.gather [hbm4b:s11+s6], $0x80, s10, s6, $0xb8;
	[tilespmem:$0x10200] =	vst v63  }
0x1e: {  	_ =	swait.ge [sflag:s16], $0x4000  }
0x1f: {  	[sflag:s16] =	ssyncset.done $0x0  }
0x20: {  	[sflag:s16] =	ssyncadd.s32 $0xFFFFC000  }
0x21: {  	_ =	swait.ge [sflag:s16], $0x4000  }
0x22: {  	[sflag:s16] =	ssyncset.done $0x0  }
0x23: {  	[sflag:s16] =	ssyncadd.s32 $0xFFFFC000  }
0x24: {  	_ =	swait.ge [sflag:s16], $0x4000  }
0x25: {  	[sflag:s16] =	ssyncset.done $0x0  }
0x26: {  	[sflag:s16] =	ssyncadd.s32 $0xFFFFC000  }
0x27: {  	s17 =	sshll.u32 s17, $0x4;
	_ =	swait.ge [sflag:s16], $0x4000  }
0x28: {  	s24 =	sadd.s32 s17, s22;
	[sflag:s16] =	ssyncset.done $0x0  }
0x29: {  	s17 =	sadd.s32 $0x7C3800, s24;
	[sflag:s16] =	ssyncadd.s32 $0xFFFFC000  }
0x2a: {  	[hbm4b:s17+s2] =	stream.linear.scatter [tilespmem:s12], [sflag:$0x2], $0x10000, $0x38;
	[tilespmem:$0x10200] =	vst v63  }
0x2b: {  	_ =	swait.ge [sflag:s3], $0x10000  }
0x2c: {  	s25 =	sadd.s32 $0x2800, s22;
	[sflag:s3] =	ssyncset.done $0x0  }
0x2d: {  	s18 =	sadd.s32 s25, s18;
	[sflag:s3] =	ssyncadd.s32 $0xFFFF0000  }
0x2e: {  	[tilespmem:s2], [sflag:$0x2] =	stream.linear.gather [hbm4b:s18+s2], $0x80, $0x38;
	[tilespmem:$0x10200] =	vst v63  }
0x2f: {  	_ =	swait.ge [sflag:s3], $0x80  }
0x30: {  	[sflag:s3] =	ssyncset.done $0x0  }
0x31: {  	s19 =	sadd.s32 s25, s19;
	[sflag:s3] =	ssyncadd.s32 $0xFFFFFF80  }
0x32: {  	[tilespmem:s6], [sflag:$0x2] =	stream.linear.gather [hbm4b:s19+s2], $0x80, $0x38;
	[tilespmem:$0x10200] =	vst v63  }
0x33: {  	_ =	swait.ge [sflag:s3], $0x80  }
0x34: {  	[sflag:s3] =	ssyncset.done $0x0  }
0x35: {  	s20 =	sadd.s32 s25, s20;
	[sflag:s3] =	ssyncadd.s32 $0xFFFFFF80  }
0x36: {  	[tilespmem:s8], [sflag:$0x2] =	stream.linear.gather [hbm4b:s20+s2], $0x80, $0x38;
	[tilespmem:$0x10200] =	vst v63  }
0x37: {  	_ =	swait.ge [sflag:s3], $0x80  }
0x38: {  	[sflag:s3] =	ssyncset.done $0x0  }
0x39: {  	s21 =	sadd.s32 s25, s21;
	[sflag:s3] =	ssyncadd.s32 $0xFFFFFF80  }
0x3a: {  	[tilespmem:s10], [sflag:$0x2] =	stream.linear.gather [hbm4b:s21+s2], $0x80, $0x38;
	[tilespmem:$0x10200] =	vst v63  }
0x3b: {  	_ =	swait.ge [sflag:s3], $0x80  }
0x3c: {  	[sflag:s3] =	ssyncset.done $0x0  }
0x3d: {  	s22 =	sadd.s32 $0x3E3800, s22;
	[sflag:s3] =	ssyncadd.s32 $0xFFFFFF80  }
0x3e: {  	[tilespmem:s12], [sflag:$0x1] =	stream.indirect.gather [hbm4b:s22+s6], $0x80, s2, s6, $0xb8;
	[tilespmem:$0x10200] =	vst v63  }
0x3f: {  	_ = 	snop  }
0x40: {  	[tilespmem:s13], [sflag:$0x1] =	stream.indirect.gather [hbm4b:s22+s6], $0x80, s6, s6, $0xb8;
	[tilespmem:$0x10200] =	vst v63  }
0x41: {  	_ = 	snop  }
0x42: {  	[tilespmem:s14], [sflag:$0x1] =	stream.indirect.gather [hbm4b:s22+s6], $0x80, s8, s6, $0xb8;
	[tilespmem:$0x10200] =	vst v63  }
0x43: {  	_ = 	snop  }
0x44: {  	[tilespmem:s15], [sflag:$0x1] =	stream.indirect.gather [hbm4b:s22+s6], $0x80, s10, s6, $0xb8;
	[tilespmem:$0x10200] =	vst v63  }
0x45: {  	_ =	swait.ge [sflag:s16], $0x4000  }
0x46: {  	[sflag:s16] =	ssyncset.done $0x0  }
0x47: {  	[sflag:s16] =	ssyncadd.s32 $0xFFFFC000  }
0x48: {  	_ =	swait.ge [sflag:s16], $0x4000  }
0x49: {  	[sflag:s16] =	ssyncset.done $0x0  }
0x4a: {  	s23 =	ssub.s32 $0x2, s23;
	[sflag:s16] =	ssyncadd.s32 $0xFFFFC000  }
0x4b: {  	s30 =	sshrl.u32 s23, $0x1;
	_ =	swait.ge [sflag:s16], $0x4000  }
0x4c: {  	s25 =	ssub.s32 s23, s30;
	[sflag:s16] =	ssyncset.done $0x0  }
0x4d: {  	s31 =	smax.u32 s25, $0x1;
	[sflag:s16] =	ssyncadd.s32 $0xFFFFC000  }
0x4e: {  	p0 =	sne.s32 s31, $0x1;
	_ =	swait.ge [sflag:s16], $0x4000  }
.Ltmp0:
0x4f: {  	[sflag:s16] =	ssyncset.done $0x0;
	(pc) =	sbr.rel @!p0 .LBB2_2-.Ltmp0, $4  }
0x50: {  	s23 =	sadd.s32 $0x803800, s24;
	[sflag:s16] =	ssyncadd.s32 $0xFFFFC000  }
0x51: {  	[hbm4b:s23+s2] =	stream.linear.scatter [tilespmem:s12], [sflag:$0x2], $0x10000, $0x38;
	[tilespmem:$0x10200] =	vst v63  }
0x52: {  	_ =	swait.ge [sflag:s3], $0x10000  }
0x53: {  	s24 =	sadd.s32 $0xFFFFFFFF, s31;
	[sflag:s3] =	ssyncset.done $0x0  }
.LBB2_1:
0x54: {  	p0 =	sne.s32 s24, $0x1;
	s24 =	sadd.s32 $0xFFFFFFFF, s24;
	[sflag:s3] =	ssyncadd.s32 $0xFFFF0000  }
0x55: {  	[tilespmem:s2], [sflag:$0x2] =	stream.linear.gather [hbm4b:s4+s2], $0x80, $0x38;
	[tilespmem:$0x10200] =	vst v63  }
0x56: {  	_ =	swait.ge [sflag:s3], $0x80  }
0x57: {  	[sflag:s3] =	ssyncset.done $0x0  }
0x58: {  	[sflag:s3] =	ssyncadd.s32 $0xFFFFFF80  }
0x59: {  	[tilespmem:s6], [sflag:$0x2] =	stream.linear.gather [hbm4b:s5+s2], $0x80, $0x38;
	[tilespmem:$0x10200] =	vst v63  }
0x5a: {  	_ =	swait.ge [sflag:s3], $0x80  }
0x5b: {  	[sflag:s3] =	ssyncset.done $0x0  }
0x5c: {  	[sflag:s3] =	ssyncadd.s32 $0xFFFFFF80  }
0x5d: {  	[tilespmem:s8], [sflag:$0x2] =	stream.linear.gather [hbm4b:s7+s2], $0x80, $0x38;
	[tilespmem:$0x10200] =	vst v63  }
0x5e: {  	_ =	swait.ge [sflag:s3], $0x80  }
0x5f: {  	[sflag:s3] =	ssyncset.done $0x0  }
0x60: {  	[sflag:s3] =	ssyncadd.s32 $0xFFFFFF80  }
0x61: {  	[tilespmem:s10], [sflag:$0x2] =	stream.linear.gather [hbm4b:s9+s2], $0x80, $0x38;
	[tilespmem:$0x10200] =	vst v63  }
0x62: {  	_ =	swait.ge [sflag:s3], $0x80  }
0x63: {  	[sflag:s3] =	ssyncset.done $0x0  }
0x64: {  	[sflag:s3] =	ssyncadd.s32 $0xFFFFFF80  }
0x65: {  	[tilespmem:s12], [sflag:$0x1] =	stream.indirect.gather [hbm4b:s11+s6], $0x80, s2, s6, $0xb8;
	[tilespmem:$0x10200] =	vst v63  }
0x66: {  	_ = 	snop  }
0x67: {  	[tilespmem:s13], [sflag:$0x1] =	stream.indirect.gather [hbm4b:s11+s6], $0x80, s6, s6, $0xb8;
	[tilespmem:$0x10200] =	vst v63  }
0x68: {  	_ = 	snop  }
0x69: {  	[tilespmem:s14], [sflag:$0x1] =	stream.indirect.gather [hbm4b:s11+s6], $0x80, s8, s6, $0xb8;
	[tilespmem:$0x10200] =	vst v63  }
0x6a: {  	_ = 	snop  }
0x6b: {  	[tilespmem:s15], [sflag:$0x1] =	stream.indirect.gather [hbm4b:s11+s6], $0x80, s10, s6, $0xb8;
	[tilespmem:$0x10200] =	vst v63  }
0x6c: {  	_ =	swait.ge [sflag:s16], $0x4000  }
0x6d: {  	[sflag:s16] =	ssyncset.done $0x0  }
0x6e: {  	[sflag:s16] =	ssyncadd.s32 $0xFFFFC000  }
0x6f: {  	_ =	swait.ge [sflag:s16], $0x4000  }
0x70: {  	[sflag:s16] =	ssyncset.done $0x0  }
0x71: {  	[sflag:s16] =	ssyncadd.s32 $0xFFFFC000  }
0x72: {  	_ =	swait.ge [sflag:s16], $0x4000  }
0x73: {  	[sflag:s16] =	ssyncset.done $0x0  }
0x74: {  	[sflag:s16] =	ssyncadd.s32 $0xFFFFC000  }
0x75: {  	_ =	swait.ge [sflag:s16], $0x4000  }
0x76: {  	[sflag:s16] =	ssyncset.done $0x0  }
0x77: {  	[sflag:s16] =	ssyncadd.s32 $0xFFFFC000  }
0x78: {  	[hbm4b:s17+s2] =	stream.linear.scatter [tilespmem:s12], [sflag:$0x2], $0x10000, $0x38;
	[tilespmem:$0x10200] =	vst v63  }
0x79: {  	_ =	swait.ge [sflag:s3], $0x10000  }
0x7a: {  	[sflag:s3] =	ssyncset.done $0x0  }
0x7b: {  	[sflag:s3] =	ssyncadd.s32 $0xFFFF0000  }
0x7c: {  	[tilespmem:s2], [sflag:$0x2] =	stream.linear.gather [hbm4b:s18+s2], $0x80, $0x38;
	[tilespmem:$0x10200] =	vst v63  }
0x7d: {  	_ =	swait.ge [sflag:s3], $0x80  }
0x7e: {  	[sflag:s3] =	ssyncset.done $0x0  }
0x7f: {  	[sflag:s3] =	ssyncadd.s32 $0xFFFFFF80  }
0x80: {  	[tilespmem:s6], [sflag:$0x2] =	stream.linear.gather [hbm4b:s19+s2], $0x80, $0x38;
	[tilespmem:$0x10200] =	vst v63  }
0x81: {  	_ =	swait.ge [sflag:s3], $0x80  }
0x82: {  	[sflag:s3] =	ssyncset.done $0x0  }
0x83: {  	[sflag:s3] =	ssyncadd.s32 $0xFFFFFF80  }
0x84: {  	[tilespmem:s8], [sflag:$0x2] =	stream.linear.gather [hbm4b:s20+s2], $0x80, $0x38;
	[tilespmem:$0x10200] =	vst v63  }
0x85: {  	_ =	swait.ge [sflag:s3], $0x80  }
0x86: {  	[sflag:s3] =	ssyncset.done $0x0  }
0x87: {  	[sflag:s3] =	ssyncadd.s32 $0xFFFFFF80  }
0x88: {  	[tilespmem:s10], [sflag:$0x2] =	stream.linear.gather [hbm4b:s21+s2], $0x80, $0x38;
	[tilespmem:$0x10200] =	vst v63  }
0x89: {  	_ =	swait.ge [sflag:s3], $0x80  }
0x8a: {  	[sflag:s3] =	ssyncset.done $0x0  }
0x8b: {  	[sflag:s3] =	ssyncadd.s32 $0xFFFFFF80  }
0x8c: {  	[tilespmem:s12], [sflag:$0x1] =	stream.indirect.gather [hbm4b:s22+s6], $0x80, s2, s6, $0xb8;
	[tilespmem:$0x10200] =	vst v63  }
0x8d: {  	_ = 	snop  }
0x8e: {  	[tilespmem:s13], [sflag:$0x1] =	stream.indirect.gather [hbm4b:s22+s6], $0x80, s6, s6, $0xb8;
	[tilespmem:$0x10200] =	vst v63  }
0x8f: {  	_ = 	snop  }
0x90: {  	[tilespmem:s14], [sflag:$0x1] =	stream.indirect.gather [hbm4b:s22+s6], $0x80, s8, s6, $0xb8;
	[tilespmem:$0x10200] =	vst v63  }
0x91: {  	_ = 	snop  }
0x92: {  	[tilespmem:s15], [sflag:$0x1] =	stream.indirect.gather [hbm4b:s22+s6], $0x80, s10, s6, $0xb8;
	[tilespmem:$0x10200] =	vst v63  }
0x93: {  	_ =	swait.ge [sflag:s16], $0x4000  }
0x94: {  	[sflag:s16] =	ssyncset.done $0x0  }
0x95: {  	[sflag:s16] =	ssyncadd.s32 $0xFFFFC000  }
0x96: {  	_ =	swait.ge [sflag:s16], $0x4000  }
0x97: {  	[sflag:s16] =	ssyncset.done $0x0  }
0x98: {  	[sflag:s16] =	ssyncadd.s32 $0xFFFFC000  }
0x99: {  	_ =	swait.ge [sflag:s16], $0x4000  }
0x9a: {  	[sflag:s16] =	ssyncset.done $0x0  }
0x9b: {  	[sflag:s16] =	ssyncadd.s32 $0xFFFFC000  }
0x9c: {  	_ =	swait.ge [sflag:s16], $0x4000  }
.Ltmp1:
0x9d: {  	[sflag:s16] =	ssyncset.done $0x0;
	(pc) =	sbr.rel @p0 .LBB2_1-.Ltmp1, $4  }
0x9e: {  	[sflag:s16] =	ssyncadd.s32 $0xFFFFC000  }
0x9f: {  	[hbm4b:s23+s2] =	stream.linear.scatter [tilespmem:s12], [sflag:$0x2], $0x10000, $0x38;
	[tilespmem:$0x10200] =	vst v63  }
0xa0: {  	_ =	swait.ge [sflag:s3], $0x10000  }
0xa1: {  	[sflag:s3] =	ssyncset.done $0x0  }
.LBB2_2:
0xa2: {  	[sflag:s3] =	ssyncadd.s32 $0xFFFF0000  }
0xa3: {  	_ =	sfence.sel $0x180000  }
0xa4: {  	[bflag:$0x0] =	sbarrier.arrive $0xFFFF  }
0xa5: {  	p0 =	sne.s32 s0, $0x0;
	_ =	strace $0x90000047  }
0xa6: {  	s0 =	sadd.s32 @!p0 $0x100000, s1;
	[bflag:$0x2] =	sbarrier.arrive $0xFFFF  }
0xa7: {  	[sflag:s0] =	ssyncadd.tile.s32 @!p0 $0x1;
	_ =	shalt  }
.Lfunc_end2:
_tile_overlayer_lowered:
.L_overlay_start_2:
0xa8: {  	(tag) =	ssettag $0x2  }
0xa9: {  	s0 =	rddreg [dreg:$0x0];
	s2 =	stileid.u32  }
0xaa: {  	s1 =	rddreg [dreg:$0x1];
	p0 =	sne.s32 s2, $0x0  }
0xab: {  	s3 =	rddreg [dreg:$0x2];
	[bflag:$0x3] =	sbarrier.arrive $0xFFFF;
	s2 =	simm.s32 @!p0 $0x1C02  }
0xac: {  	[timem:s3], [sflag:s2] =	dma.local @!p0 [hbm:s0], s1  }
0xad: {  	s0 =	simm.s32 @!p0 $0x2  }
0xae: {  	_ =	swait.ge @!p0 [sflag:s0], s1  }
0xaf: {  	s1 =	ssub.s32 @!p0 $0x0, s1;
	[sflag:s0] =	ssyncset.done @!p0 $0x0  }
0xb0: {  	[sflag:s0] =	ssyncadd.s32 @!p0 s1  }
0xb1: {  	[bflag:$0x3] =	sbarrier.arrive $0xFFFF  }
0xb2: {  	_ =	shalt  }

</sc_bundles>
